<compile_context>
chip_gen: v7x
topology: tpu7x:2x2x1
jax: 0.10.2.dev20260603
libtpu: 0.0.44.dev20260713+nightly
codegen_flags: <defaults>
</compile_context>

<pallas_src>
from functools import partial

import jax
import jax.numpy as jnp
from jax import lax
from jax.experimental import pallas as pl
from jax.experimental.pallas import tpu as pltpu
from jax.experimental.pallas import tpu_sc as plsc

EPS = 1e-06
LAM_MIN = 0.1
HI0 = 2.125
K_ITERS = 13

NC = 2
NS = 16
L = 16
NW = NC * NS


def _shl(x):
    return jnp.concatenate([x[:, 1:], x[:, :1]], axis=1)


def _shr(x):
    return jnp.concatenate([x[:, -1:], x[:, :-1]], axis=1)


def _bisect(vals, target, n_iters):
    blk = vals.shape[0]
    lo = jnp.zeros((blk, 1), jnp.float32)
    hi = jnp.full((blk, 1), HI0, jnp.float32)
    for _ in range(n_iters):
        mid = 0.5 * (lo + hi)
        cnt = jnp.sum((vals <= mid).astype(jnp.float32), axis=1, keepdims=True)
        ge = cnt >= target
        hi = jnp.where(ge, mid, hi)
        lo = jnp.where(ge, lo, mid)
    return 0.5 * (lo + hi)


def _tc_block_kernel(tau_ref, gamma_ref, cx_ref, cy_ref,
                     rho_ref, gate_ref, scale_ref, med_ref, mad_ref, num_ref,
                     *, n, t1):
    cx = cx_ref[...]
    cy = cy_ref[...]
    blk = cx.shape[0]

    dx = _shl(cx) - cx
    dy = _shl(cy) - cy
    nsq = dx * dx + dy * dy
    n1sq = jnp.maximum(nsq, EPS)
    n1 = jnp.sqrt(n1sq)
    n2 = jnp.sqrt(jnp.maximum(nsq / n1sq, EPS))
    dot = dx * _shl(dx) + dy * _shl(dy)
    pden = (n1 * _shl(n1)) * jnp.maximum(n2 * _shl(n2), EPS)
    rho_mid = 1.0 - dot / pden

    li = lax.broadcasted_iota(jnp.int32, (blk, n), 1)
    valid = (li >= 1) & (li <= n - 2)
    rho = jnp.where(valid, _shr(rho_mid), 0.0)
    rho_ref[...] = rho

    rho_cnt = jnp.where(valid, rho, 3.0)
    med = _bisect(rho_cnt, t1, K_ITERS)

    dev_cnt = jnp.where(valid, jnp.abs(rho - med), 3.0)
    mad = _bisect(dev_cnt, t1, K_ITERS)

    tau = tau_ref[0, 0]
    gamma = gamma_ref[0, 0]
    scale = jnp.maximum(mad + gamma * med + EPS, EPS)
    denom = jnp.maximum(tau * scale, EPS)
    gate = LAM_MIN + (1.0 - LAM_MIN) * jnp.exp(-rho / denom)
    gate = jnp.where(valid, gate, 1.0)

    med_ref[...] = med
    mad_ref[...] = mad
    scale_ref[...] = scale
    gate_ref[...] = gate

    num_part = jnp.sum(gate * rho)
    @pl.when(pl.program_id(0) == 0)
    def _init():
        num_ref[0, 0] = 0.0
    num_ref[0, 0] += num_part


def _tc_part(cx, cy, tau2d, gamma2d, t1):
    n_rows, N = cx.shape

    blk = min(128, n_rows)
    grid = (n_rows // blk,)

    row_spec = pl.BlockSpec((blk, N), lambda i: (i, 0))
    col_spec = pl.BlockSpec((blk, 1), lambda i: (i, 0))
    smem_spec = pl.BlockSpec(memory_space=pltpu.SMEM)

    return pl.pallas_call(
        partial(_tc_block_kernel, n=N, t1=t1),
        grid=grid,
        in_specs=[smem_spec, smem_spec, row_spec, row_spec],
        out_specs=[row_spec, row_spec, col_spec, col_spec, col_spec,
                   pl.BlockSpec(memory_space=pltpu.SMEM)],
        out_shape=[
            jax.ShapeDtypeStruct((n_rows, N), jnp.float32),
            jax.ShapeDtypeStruct((n_rows, N), jnp.float32),
            jax.ShapeDtypeStruct((n_rows, 1), jnp.float32),
            jax.ShapeDtypeStruct((n_rows, 1), jnp.float32),
            jax.ShapeDtypeStruct((n_rows, 1), jnp.float32),
            jax.ShapeDtypeStruct((1, 1), jnp.float32),
        ],
    )(tau2d, gamma2d, cx, cy)



def _take16(v, idx):
    dnums = lax.GatherDimensionNumbers(
        offset_dims=(), collapsed_slice_dims=(0,), start_index_map=(0,))
    return lax.gather(v, idx[:, None], dnums, (1,),
                      mode=lax.GatherScatterMode.PROMISE_IN_BOUNDS)


def _deint_body(c2_hbm, cx_hbm, cy_hbm,
                crow0, crow1, cxb0, cxb1, cyb0, cyb1,
                si0, si1, so0, so1, *, n, rows_per_w):
    wid = lax.axis_index("s") * NC + lax.axis_index("c")
    iota = lax.broadcasted_iota(jnp.int32, (L,), 0)
    crows = (crow0, crow1)
    cxbs = (cxb0, cxb1)
    cybs = (cyb0, cyb1)
    sis = (si0, si1)
    sos = (so0, so1)
    base = wid * rows_per_w

    pltpu.async_copy(c2_hbm.at[base], crow0, si0)
    pltpu.async_copy(c2_hbm.at[base + 1], crow1, si1)

    def pair_body(g, _):
        for b in range(2):
            r = 2 * g + b
            row = base + r
            crow, cxb, cyb, si, so = crows[b], cxbs[b], cybs[b], sis[b], sos[b]
            pltpu.make_async_copy(c2_hbm.at[row], crow, si).wait()

            @pl.when(g > 0)
            def _drain():
                pltpu.make_async_copy(cxb, cx_hbm.at[row], so).wait()
                pltpu.make_async_copy(cyb, cy_hbm.at[row], so).wait()

            idx = (2 * iota) & 15
            idx1 = idx + 1
            lo_half = iota < 8

            def dj(j):
                v0 = crow[pl.ds(32 * j, L)]
                v1 = crow[pl.ds(32 * j + L, L)]
                xs = jnp.where(lo_half, _take16(v0, idx), _take16(v1, idx))
                ys = jnp.where(lo_half, _take16(v0, idx1), _take16(v1, idx1))
                cxb[pl.ds(L * j, L)] = xs
                cyb[pl.ds(L * j, L)] = ys
            plsc.parallel_loop(0, n // L, 1, unroll=8)(dj)

            pltpu.async_copy(cxb, cx_hbm.at[row], so)
            pltpu.async_copy(cyb, cy_hbm.at[row], so)

            @pl.when(r + 2 < rows_per_w)
            def _prefetch():
                pltpu.async_copy(c2_hbm.at[row + 2], crow, si)
        return 0
    lax.fori_loop(0, rows_per_w // 2, pair_body, 0)

    for b in range(2):
        pltpu.make_async_copy(cxbs[b], cx_hbm.at[base], sos[b]).wait()
        pltpu.make_async_copy(cybs[b], cy_hbm.at[base], sos[b]).wait()


def _sc_deinterleave(c2, b, n):
    rows_per_w = b // NW
    mesh = plsc.VectorSubcoreMesh(core_axis_name="c", subcore_axis_name="s",
                                  num_cores=NC, num_subcores=NS)
    f32 = jnp.float32
    kern = pl.kernel(
        partial(_deint_body, n=n, rows_per_w=rows_per_w),
        out_type=[
            jax.ShapeDtypeStruct((b, n), f32),
            jax.ShapeDtypeStruct((b, n), f32),
        ],
        mesh=mesh,
        compiler_params=pltpu.CompilerParams(needs_layout_passes=False),
        scratch_types=[
            pltpu.VMEM((2 * n,), f32),
            pltpu.VMEM((2 * n,), f32),
            pltpu.VMEM((n,), f32),
            pltpu.VMEM((n,), f32),
            pltpu.VMEM((n,), f32),
            pltpu.VMEM((n,), f32),
            pltpu.SemaphoreType.DMA,
            pltpu.SemaphoreType.DMA,
            pltpu.SemaphoreType.DMA,
            pltpu.SemaphoreType.DMA,
        ],
    )
    return kern(c2)



@jax.jit
def kernel(c, mask, tau_raw, gamma_raw):
    B, N, _ = c.shape
    del mask
    tau = jax.nn.softplus(tau_raw) + EPS
    gamma = jax.nn.softplus(gamma_raw)

    vc = N - 2
    t1 = float((vc - 1) // 2 + 1)

    c2 = c.reshape(B, 2 * N)
    cx, cy = _sc_deinterleave(c2, B, N)
    rho, gate, scale2, med2, mad2, num2 = _tc_part(
        cx, cy, tau.reshape(1, 1), gamma.reshape(1, 1), t1)
    med, mad, scale, num = med2[:, 0], mad2[:, 0], scale2[:, 0], num2[0, 0]

    den = float(B * (N - 2))
    loss = (num / den).astype(jnp.float32)
    return (rho, gate, scale, med, mad, loss)

# --- scband reference (transcript-rebuilt; emitter-appended) ---
"""Pipeline reference for scband-sreggating-1657857376383 (READ-ONLY COPY).

The authoritative reference and input builder live on the scoring server;
editing this copy changes nothing except your own understanding.
"""

import jax, jax.numpy as jnp
import numpy as np

EPS = 1e-06
LAM_MIN = 0.1


def _safe_norm(x, eps=EPS):
    return jnp.sqrt(jnp.maximum((x * x).sum(axis=-1, keepdims=True), eps))


def _cosine_sim(u, v, eps=EPS):
    num = (u * v).sum(axis=-1)
    den = jnp.maximum(_safe_norm(u, eps)[..., 0] * _safe_norm(v, eps)[..., 0], eps)
    return num / den


def _masked_median(x, mask):
    # x, mask: (B, N)
    B, N = x.shape
    mask_bool = mask.astype(bool)
    x2 = jnp.where(mask_bool, x, jnp.inf)
    x_sorted = jnp.sort(x2, axis=1)
    valid_counts = jnp.maximum(mask_bool.sum(axis=1), 1)
    lo = (valid_counts - 1) // 2
    hi = valid_counts // 2
    med_lo = jnp.take_along_axis(x_sorted, lo[:, None], axis=1)[:, 0]
    med_hi = jnp.take_along_axis(x_sorted, hi[:, None], axis=1)[:, 0]
    return 0.5 * (med_lo + med_hi)


def setup_inputs(seed: int = 0) -> dict:
    key = jax.random.key(seed)
    k1, k2 = jax.random.split(key)
    B, N = 1024, 4096
    c = jax.random.normal(k1, (B, N, 2), dtype=jnp.float32)
    mask = jnp.ones((B, N), dtype=jnp.float32)
    # learnable scalar params: raw (pre-softplus) values, init_tau=1.0, gamma=1.0
    tau_raw = jnp.asarray(np.log(np.exp(1.0) - 1.0), dtype=jnp.float32)
    gamma_raw = jnp.asarray(np.log(np.exp(1.0) - 1.0), dtype=jnp.float32)
    return {"c": c, "mask": mask, "tau_raw": tau_raw, "gamma_raw": gamma_raw}


def reference(c, mask, tau_raw, gamma_raw):
    B, N, _ = c.shape
    tau = jax.nn.softplus(tau_raw) + EPS
    gamma = jax.nn.softplus(gamma_raw)
    # detach_geometry=True
    c_used = jax.lax.stop_gradient(c)
    d = c_used[:, 1:, :] - c_used[:, :-1, :]
    u = d / _safe_norm(d)
    cos_th = _cosine_sim(u[:, :-1, :], u[:, 1:, :])
    rho_mid = 1.0 - cos_th
    rho = jnp.zeros((B, N), dtype=c.dtype).at[:, 1:-1].set(rho_mid)
    mid_mask = jnp.zeros((B, N), dtype=jnp.float32).at[:, 1:-1].set(1.0)
    valid_mask = mask * mid_mask
    med = _masked_median(rho, valid_mask)
    dev = jnp.abs(rho - med[:, None])
    mad = _masked_median(dev, valid_mask)
    scale = jnp.maximum(mad + gamma * med + EPS, EPS)
    denom = jnp.maximum(tau * scale, EPS)
    gate = LAM_MIN + (1.0 - LAM_MIN) * jnp.exp(-rho / denom[:, None])
    gate = gate * valid_mask + (1.0 - valid_mask) * 1.0
    num = (gate * rho * valid_mask).sum()
    den = jnp.maximum(valid_mask.sum(), 1.0)
    loss_cont = num / den
    return (rho, gate, scale, med, mad, loss_cont)

if __name__ == "__main__":
    import jax
    _d = setup_inputs()
    print(jax.jit(kernel)(*tuple(_d.values())))

</pallas_src>

<mosaic_0001>
#map = affine_map<(d0, d1) -> (0, 0)>
module attributes {stable_mosaic.version = 14 : i64} {
  func.func @_deint_body(%arg0: i32, %arg1: i32, %arg2: memref<1024x8192xf32, #tpu.memory_space<hbm>>, %arg3: memref<1024x4096xf32, #tpu.memory_space<hbm>>, %arg4: memref<1024x4096xf32, #tpu.memory_space<hbm>>, %arg5: memref<8192xf32, #tpu.memory_space<vmem>>, %arg6: memref<8192xf32, #tpu.memory_space<vmem>>, %arg7: memref<4096xf32, #tpu.memory_space<vmem>>, %arg8: memref<4096xf32, #tpu.memory_space<vmem>>, %arg9: memref<4096xf32, #tpu.memory_space<vmem>>, %arg10: memref<4096xf32, #tpu.memory_space<vmem>>, %arg11: memref<!tpu.dma_semaphore, #tpu.memory_space<semaphore_mem>>, %arg12: memref<!tpu.dma_semaphore, #tpu.memory_space<semaphore_mem>>, %arg13: memref<!tpu.dma_semaphore, #tpu.memory_space<semaphore_mem>>, %arg14: memref<!tpu.dma_semaphore, #tpu.memory_space<semaphore_mem>>) attributes {dimension_semantics = [#tpu.dimension_semantics<core_parallel>, #tpu.dimension_semantics<subcore_parallel>], iteration_bounds = array<i64: 2, 16>, scalar_prefetch = 0 : i64, scratch_operands = 10 : i64, tpu.core_type = #tpu.core_type<sc_vector_subcore>, window_params = [{transform_indices = #map}, {transform_indices = #map}, {transform_indices = #map}]} {
    %mul3A = arith.constant 2 : i32
    %mul3A_0 = arith.muli %arg1, %mul3A : i32
    %add3A = arith.addi %mul3A_0, %arg0 : i32
    %iota3A = tpu.iota {dimensions = array<i32: 0>} : vector<16xi32>
    %mul3A_1 = arith.constant 32 : i32
    %mul3A_2 = arith.muli %add3A, %mul3A_1 : i32
    %dma_start3A = arith.constant 0 : i32
    %dma_start3A_3 = tpu.memref_slice %arg2[%mul3A_2, %dma_start3A] : memref<1024x8192xf32, #tpu.memory_space<hbm>> -> memref<1x8192xf32, #tpu.memory_space<hbm>>
    %dma_start3A_4 = tpu.memref_squeeze %dma_start3A_3 : memref<1x8192xf32, #tpu.memory_space<hbm>> -> memref<8192xf32, #tpu.memory_space<hbm>>
    %dma_start3A_5 = arith.constant 0 : i32
    %dma_start3A_6 = tpu.memref_slice %arg2[%mul3A_2, %dma_start3A_5] : memref<1024x8192xf32, #tpu.memory_space<hbm>> -> memref<1x8192xf32, #tpu.memory_space<hbm>>
    %dma_start3A_7 = tpu.memref_squeeze %dma_start3A_6 : memref<1x8192xf32, #tpu.memory_space<hbm>> -> memref<8192xf32, #tpu.memory_space<hbm>>
    tpu.enqueue_dma source(%dma_start3A_7 : memref<8192xf32, #tpu.memory_space<hbm>>) target(%arg5 : memref<8192xf32, #tpu.memory_space<vmem>>) target_semaphore(%arg11 : memref<!tpu.dma_semaphore, #tpu.memory_space<semaphore_mem>>)
    %add3A_8 = arith.constant 1 : i32
    %add3A_9 = arith.addi %mul3A_2, %add3A_8 : i32
    %dma_start3A_10 = arith.constant 0 : i32
    %dma_start3A_11 = tpu.memref_slice %arg2[%add3A_9, %dma_start3A_10] : memref<1024x8192xf32, #tpu.memory_space<hbm>> -> memref<1x8192xf32, #tpu.memory_space<hbm>>
    %dma_start3A_12 = tpu.memref_squeeze %dma_start3A_11 : memref<1x8192xf32, #tpu.memory_space<hbm>> -> memref<8192xf32, #tpu.memory_space<hbm>>
    %dma_start3A_13 = arith.constant 0 : i32
    %dma_start3A_14 = tpu.memref_slice %arg2[%add3A_9, %dma_start3A_13] : memref<1024x8192xf32, #tpu.memory_space<hbm>> -> memref<1x8192xf32, #tpu.memory_space<hbm>>
    %dma_start3A_15 = tpu.memref_squeeze %dma_start3A_14 : memref<1x8192xf32, #tpu.memory_space<hbm>> -> memref<8192xf32, #tpu.memory_space<hbm>>
    tpu.enqueue_dma source(%dma_start3A_15 : memref<8192xf32, #tpu.memory_space<hbm>>) target(%arg6 : memref<8192xf32, #tpu.memory_space<vmem>>) target_semaphore(%arg12 : memref<!tpu.dma_semaphore, #tpu.memory_space<semaphore_mem>>)
    %scan3A = arith.constant 0 : i32
    %scan3A_16 = arith.constant 0 : i32
    %scan3A_17 = arith.constant 16 : i32
    %scan3A_18 = arith.addi %scan3A_16, %scan3A_17 : i32
    %scan3A_19 = arith.constant 1 : i32
    %scan3A_20 = scf.for %scan3A_45 = %scan3A_16 to %scan3A_18 step %scan3A_19 iter_args(%scan3A_46 = %scan3A) -> (i32)  : i32 {
      %mul3A_47 = arith.constant 2 : i32
      %mul3A_48 = arith.muli %mul3A_47, %scan3A_45 : i32
      %add3A_49 = arith.constant 0 : i32
      %add3A_50 = arith.addi %mul3A_48, %add3A_49 : i32
      %add3A_51 = arith.addi %mul3A_2, %add3A_50 : i32
      %dma_wait3A_52 = arith.constant 0 : i32
      %dma_wait3A_53 = tpu.memref_slice %arg2[%add3A_51, %dma_wait3A_52] : memref<1024x8192xf32, #tpu.memory_space<hbm>> -> memref<1x8192xf32, #tpu.memory_space<hbm>>
      %dma_wait3A_54 = tpu.memref_squeeze %dma_wait3A_53 : memref<1x8192xf32, #tpu.memory_space<hbm>> -> memref<8192xf32, #tpu.memory_space<hbm>>
      %dma_wait3A_55 = arith.constant 0 : i32
      %dma_wait3A_56 = tpu.memref_slice %arg2[%add3A_51, %dma_wait3A_55] : memref<1024x8192xf32, #tpu.memory_space<hbm>> -> memref<1x8192xf32, #tpu.memory_space<hbm>>
      %dma_wait3A_57 = tpu.memref_squeeze %dma_wait3A_56 : memref<1x8192xf32, #tpu.memory_space<hbm>> -> memref<8192xf32, #tpu.memory_space<hbm>>
      tpu.wait_dma2 semaphore(%arg11 : memref<!tpu.dma_semaphore, #tpu.memory_space<semaphore_mem>>) src(%dma_wait3A_57 : memref<8192xf32, #tpu.memory_space<hbm>>) dst(%arg5 : memref<8192xf32, #tpu.memory_space<vmem>>)
      %gt3A = arith.constant 0 : i32
      %gt3A_58 = arith.cmpi sgt, %scan3A_45, %gt3A : i32
      %convert_element_type3A = arith.extui %gt3A_58 : i1 to i32
      %cond3A = arith.constant 0 : i32
      %cond3A_59 = arith.cmpi ne, %convert_element_type3A, %cond3A : i32
      scf.if %cond3A_59 {
        %dma_wait3A_142 = arith.constant 0 : i32
        %dma_wait3A_143 = tpu.memref_slice %arg3[%add3A_51, %dma_wait3A_142] : memref<1024x4096xf32, #tpu.memory_space<hbm>> -> memref<1x4096xf32, #tpu.memory_space<hbm>>
        %dma_wait3A_144 = tpu.memref_squeeze %dma_wait3A_143 : memref<1x4096xf32, #tpu.memory_space<hbm>> -> memref<4096xf32, #tpu.memory_space<hbm>>
        %dma_wait3A_145 = arith.constant 0 : i32
        %dma_wait3A_146 = tpu.memref_slice %arg3[%add3A_51, %dma_wait3A_145] : memref<1024x4096xf32, #tpu.memory_space<hbm>> -> memref<1x4096xf32, #tpu.memory_space<hbm>>
        %dma_wait3A_147 = tpu.memref_squeeze %dma_wait3A_146 : memref<1x4096xf32, #tpu.memory_space<hbm>> -> memref<4096xf32, #tpu.memory_space<hbm>>
        tpu.wait_dma2 semaphore(%arg13 : memref<!tpu.dma_semaphore, #tpu.memory_space<semaphore_mem>>) src(%arg7 : memref<4096xf32, #tpu.memory_space<vmem>>) dst(%dma_wait3A_147 : memref<4096xf32, #tpu.memory_space<hbm>>)
        %dma_wait3A_148 = arith.constant 0 : i32
        %dma_wait3A_149 = tpu.memref_slice %arg4[%add3A_51, %dma_wait3A_148] : memref<1024x4096xf32, #tpu.memory_space<hbm>> -> memref<1x4096xf32, #tpu.memory_space<hbm>>
        %dma_wait3A_150 = tpu.memref_squeeze %dma_wait3A_149 : memref<1x4096xf32, #tpu.memory_space<hbm>> -> memref<4096xf32, #tpu.memory_space<hbm>>
        %dma_wait3A_151 = arith.constant 0 : i32
        %dma_wait3A_152 = tpu.memref_slice %arg4[%add3A_51, %dma_wait3A_151] : memref<1024x4096xf32, #tpu.memory_space<hbm>> -> memref<1x4096xf32, #tpu.memory_space<hbm>>
        %dma_wait3A_153 = tpu.memref_squeeze %dma_wait3A_152 : memref<1x4096xf32, #tpu.memory_space<hbm>> -> memref<4096xf32, #tpu.memory_space<hbm>>
        tpu.wait_dma2 semaphore(%arg13 : memref<!tpu.dma_semaphore, #tpu.memory_space<semaphore_mem>>) src(%arg9 : memref<4096xf32, #tpu.memory_space<vmem>>) dst(%dma_wait3A_153 : memref<4096xf32, #tpu.memory_space<hbm>>)
      } else {
      }
      %mul3A_60 = arith.constant 2 : i32
      %mul3A_61 = vector.broadcast %mul3A_60 : i32 to vector<16xi32>
      %mul3A_62 = arith.muli %mul3A_61, %iota3A : vector<16xi32>
      %and3A = arith.constant 15 : i32
      %and3A_63 = vector.broadcast %and3A : i32 to vector<16xi32>
      %and3A_64 = arith.andi %mul3A_62, %and3A_63 : vector<16xi32>
      %add3A_65 = arith.constant 1 : i32
      %add3A_66 = vector.broadcast %add3A_65 : i32 to vector<16xi32>
      %add3A_67 = arith.addi %and3A_64, %add3A_66 : vector<16xi32>
      %lt3A = arith.constant 8 : i32
      %lt3A_68 = vector.broadcast %lt3A : i32 to vector<16xi32>
      %lt3A_69 = arith.cmpi slt, %iota3A, %lt3A_68 : vector<16xi32>
      %parallel_loop3A = arith.constant 0 : i32
      %parallel_loop3A_70 = arith.constant 256 : i32
      %parallel_loop3A_71 = arith.constant 1 : i32
      scf.for %parallel_loop3A_142 = %parallel_loop3A to %parallel_loop3A_70 step %parallel_loop3A_71  : i32 {
        %parallel_loop3A_143 = arith.constant 32 : i32
        %parallel_loop3A_144 = arith.muli %parallel_loop3A_143, %parallel_loop3A_142 : i32
        %parallel_loop3A_145 = arith.index_cast %parallel_loop3A_144 : i32 to index
        %parallel_loop3A_146 = tpu.vector_load %arg5[%parallel_loop3A_145] {strides = array<i32>} : memref<8192xf32, #tpu.memory_space<vmem>>, vector<16xf32>,
        %parallel_loop3A_147 = arith.constant 32 : i32
        %parallel_loop3A_148 = arith.muli %parallel_loop3A_147, %parallel_loop3A_142 : i32
        %parallel_loop3A_149 = arith.constant 16 : i32
        %parallel_loop3A_150 = arith.addi %parallel_loop3A_148, %parallel_loop3A_149 : i32
        %parallel_loop3A_151 = arith.index_cast %parallel_loop3A_150 : i32 to index
        %parallel_loop3A_152 = tpu.vector_load %arg5[%parallel_loop3A_151] {strides = array<i32>} : memref<8192xf32, #tpu.memory_space<vmem>>, vector<16xf32>,
        %parallel_loop3A_153 = vector.shape_cast %and3A_64 : vector<16xi32> to vector<16x1xi32>
        %parallel_loop3A_154 = vector.shape_cast %parallel_loop3A_153 : vector<16x1xi32> to vector<16xi32>
        %parallel_loop3A_155 = tpu.dynamic_gather %parallel_loop3A_146[%parallel_loop3A_154] in [0] : vector<16xf32>, vector<16xi32> -> vector<16xf32>
        %parallel_loop3A_156 = vector.shape_cast %and3A_64 : vector<16xi32> to vector<16x1xi32>
        %parallel_loop3A_157 = vector.shape_cast %parallel_loop3A_156 : vector<16x1xi32> to vector<16xi32>
        %parallel_loop3A_158 = tpu.dynamic_gather %parallel_loop3A_152[%parallel_loop3A_157] in [0] : vector<16xf32>, vector<16xi32> -> vector<16xf32>
        %parallel_loop3A_159 = arith.select %lt3A_69, %parallel_loop3A_155, %parallel_loop3A_158 : vector<16xi1>, vector<16xf32>
        %parallel_loop3A_160 = vector.shape_cast %add3A_67 : vector<16xi32> to vector<16x1xi32>
        %parallel_loop3A_161 = vector.shape_cast %parallel_loop3A_160 : vector<16x1xi32> to vector<16xi32>
        %parallel_loop3A_162 = tpu.dynamic_gather %parallel_loop3A_146[%parallel_loop3A_161] in [0] : vector<16xf32>, vector<16xi32> -> vector<16xf32>
        %parallel_loop3A_163 = vector.shape_cast %add3A_67 : vector<16xi32> to vector<16x1xi32>
        %parallel_loop3A_164 = vector.shape_cast %parallel_loop3A_163 : vector<16x1xi32> to vector<16xi32>
        %parallel_loop3A_165 = tpu.dynamic_gather %parallel_loop3A_152[%parallel_loop3A_164] in [0] : vector<16xf32>, vector<16xi32> -> vector<16xf32>
        %parallel_loop3A_166 = arith.select %lt3A_69, %parallel_loop3A_162, %parallel_loop3A_165 : vector<16xi1>, vector<16xf32>
        %parallel_loop3A_167 = arith.constant 16 : i32
        %parallel_loop3A_168 = arith.muli %parallel_loop3A_167, %parallel_loop3A_142 : i32
        %parallel_loop3A_169 = arith.index_cast %parallel_loop3A_168 : i32 to index
        %parallel_loop3A_170 = tpu.vector_load %arg7[%parallel_loop3A_169] {strides = array<i32>} : memref<4096xf32, #tpu.memory_space<vmem>>, vector<16xf32>,
        tpu.vector_store %arg7[%parallel_loop3A_169], %parallel_loop3A_159 {strides = array<i32>} : memref<4096xf32, #tpu.memory_space<vmem>>, vector<16xf32>,
        %parallel_loop3A_171 = arith.constant 16 : i32
        %parallel_loop3A_172 = arith.muli %parallel_loop3A_171, %parallel_loop3A_142 : i32
        %parallel_loop3A_173 = arith.index_cast %parallel_loop3A_172 : i32 to index
        %parallel_loop3A_174 = tpu.vector_load %arg9[%parallel_loop3A_173] {strides = array<i32>} : memref<4096xf32, #tpu.memory_space<vmem>>, vector<16xf32>,
        tpu.vector_store %arg9[%parallel_loop3A_173], %parallel_loop3A_166 {strides = array<i32>} : memref<4096xf32, #tpu.memory_space<vmem>>, vector<16xf32>,
      } {sc.loop_unroll_factor = 8 : i64, sc.parallel_access}
      %dma_start3A_72 = arith.constant 0 : i32
      %dma_start3A_73 = tpu.memref_slice %arg3[%add3A_51, %dma_start3A_72] : memref<1024x4096xf32, #tpu.memory_space<hbm>> -> memref<1x4096xf32, #tpu.memory_space<hbm>>
      %dma_start3A_74 = tpu.memref_squeeze %dma_start3A_73 : memref<1x4096xf32, #tpu.memory_space<hbm>> -> memref<4096xf32, #tpu.memory_space<hbm>>
      %dma_start3A_75 = arith.constant 0 : i32
      %dma_start3A_76 = tpu.memref_slice %arg3[%add3A_51, %dma_start3A_75] : memref<1024x4096xf32, #tpu.memory_space<hbm>> -> memref<1x4096xf32, #tpu.memory_space<hbm>>
      %dma_start3A_77 = tpu.memref_squeeze %dma_start3A_76 : memref<1x4096xf32, #tpu.memory_space<hbm>> -> memref<4096xf32, #tpu.memory_space<hbm>>
      tpu.enqueue_dma source(%arg7 : memref<4096xf32, #tpu.memory_space<vmem>>) target(%dma_start3A_77 : memref<4096xf32, #tpu.memory_space<hbm>>) target_semaphore(%arg13 : memref<!tpu.dma_semaphore, #tpu.memory_space<semaphore_mem>>)
      %dma_start3A_78 = arith.constant 0 : i32
      %dma_start3A_79 = tpu.memref_slice %arg4[%add3A_51, %dma_start3A_78] : memref<1024x4096xf32, #tpu.memory_space<hbm>> -> memref<1x4096xf32, #tpu.memory_space<hbm>>
      %dma_start3A_80 = tpu.memref_squeeze %dma_start3A_79 : memref<1x4096xf32, #tpu.memory_space<hbm>> -> memref<4096xf32, #tpu.memory_space<hbm>>
      %dma_start3A_81 = arith.constant 0 : i32
      %dma_start3A_82 = tpu.memref_slice %arg4[%add3A_51, %dma_start3A_81] : memref<1024x4096xf32, #tpu.memory_space<hbm>> -> memref<1x4096xf32, #tpu.memory_space<hbm>>
      %dma_start3A_83 = tpu.memref_squeeze %dma_start3A_82 : memref<1x4096xf32, #tpu.memory_space<hbm>> -> memref<4096xf32, #tpu.memory_space<hbm>>
      tpu.enqueue_dma source(%arg9 : memref<4096xf32, #tpu.memory_space<vmem>>) target(%dma_start3A_83 : memref<4096xf32, #tpu.memory_space<hbm>>) target_semaphore(%arg13 : memref<!tpu.dma_semaphore, #tpu.memory_space<semaphore_mem>>)
      %add3A_84 = arith.constant 2 : i32
      %add3A_85 = arith.addi %add3A_50, %add3A_84 : i32
      %lt3A_86 = arith.constant 32 : i32
      %lt3A_87 = arith.cmpi slt, %add3A_85, %lt3A_86 : i32
      %convert_element_type3A_88 = arith.extui %lt3A_87 : i1 to i32
      %cond3A_89 = arith.constant 0 : i32
      %cond3A_90 = arith.cmpi ne, %convert_element_type3A_88, %cond3A_89 : i32
      scf.if %cond3A_90 {
        %add3A_142 = arith.constant 2 : i32
        %add3A_143 = arith.addi %add3A_51, %add3A_142 : i32
        %dma_start3A_144 = arith.constant 0 : i32
        %dma_start3A_145 = tpu.memref_slice %arg2[%add3A_143, %dma_start3A_144] : memref<1024x8192xf32, #tpu.memory_space<hbm>> -> memref<1x8192xf32, #tpu.memory_space<hbm>>
        %dma_start3A_146 = tpu.memref_squeeze %dma_start3A_145 : memref<1x8192xf32, #tpu.memory_space<hbm>> -> memref<8192xf32, #tpu.memory_space<hbm>>
        %dma_start3A_147 = arith.constant 0 : i32
        %dma_start3A_148 = tpu.memref_slice %arg2[%add3A_143, %dma_start3A_147] : memref<1024x8192xf32, #tpu.memory_space<hbm>> -> memref<1x8192xf32, #tpu.memory_space<hbm>>
        %dma_start3A_149 = tpu.memref_squeeze %dma_start3A_148 : memref<1x8192xf32, #tpu.memory_space<hbm>> -> memref<8192xf32, #tpu.memory_space<hbm>>
        tpu.enqueue_dma source(%dma_start3A_149 : memref<8192xf32, #tpu.memory_space<hbm>>) target(%arg5 : memref<8192xf32, #tpu.memory_space<vmem>>) target_semaphore(%arg11 : memref<!tpu.dma_semaphore, #tpu.memory_space<semaphore_mem>>)
      } else {
      }
      %mul3A_91 = arith.constant 2 : i32
      %mul3A_92 = arith.muli %mul3A_91, %scan3A_45 : i32
      %add3A_93 = arith.constant 1 : i32
      %add3A_94 = arith.addi %mul3A_92, %add3A_93 : i32
      %add3A_95 = arith.addi %mul3A_2, %add3A_94 : i32
      %dma_wait3A_96 = arith.constant 0 : i32
      %dma_wait3A_97 = tpu.memref_slice %arg2[%add3A_95, %dma_wait3A_96] : memref<1024x8192xf32, #tpu.memory_space<hbm>> -> memref<1x8192xf32, #tpu.memory_space<hbm>>
      %dma_wait3A_98 = tpu.memref_squeeze %dma_wait3A_97 : memref<1x8192xf32, #tpu.memory_space<hbm>> -> memref<8192xf32, #tpu.memory_space<hbm>>
      %dma_wait3A_99 = arith.constant 0 : i32
      %dma_wait3A_100 = tpu.memref_slice %arg2[%add3A_95, %dma_wait3A_99] : memref<1024x8192xf32, #tpu.memory_space<hbm>> -> memref<1x8192xf32, #tpu.memory_space<hbm>>
      %dma_wait3A_101 = tpu.memref_squeeze %dma_wait3A_100 : memref<1x8192xf32, #tpu.memory_space<hbm>> -> memref<8192xf32, #tpu.memory_space<hbm>>
      tpu.wait_dma2 semaphore(%arg12 : memref<!tpu.dma_semaphore, #tpu.memory_space<semaphore_mem>>) src(%dma_wait3A_101 : memref<8192xf32, #tpu.memory_space<hbm>>) dst(%arg6 : memref<8192xf32, #tpu.memory_space<vmem>>)
      %gt3A_102 = arith.constant 0 : i32
      %gt3A_103 = arith.cmpi sgt, %scan3A_45, %gt3A_102 : i32
      %convert_element_type3A_104 = arith.extui %gt3A_103 : i1 to i32
      %cond3A_105 = arith.constant 0 : i32
      %cond3A_106 = arith.cmpi ne, %convert_element_type3A_104, %cond3A_105 : i32
      scf.if %cond3A_106 {
        %dma_wait3A_142 = arith.constant 0 : i32
        %dma_wait3A_143 = tpu.memref_slice %arg3[%add3A_95, %dma_wait3A_142] : memref<1024x4096xf32, #tpu.memory_space<hbm>> -> memref<1x4096xf32, #tpu.memory_space<hbm>>
        %dma_wait3A_144 = tpu.memref_squeeze %dma_wait3A_143 : memref<1x4096xf32, #tpu.memory_space<hbm>> -> memref<4096xf32, #tpu.memory_space<hbm>>
        %dma_wait3A_145 = arith.constant 0 : i32
        %dma_wait3A_146 = tpu.memref_slice %arg3[%add3A_95, %dma_wait3A_145] : memref<1024x4096xf32, #tpu.memory_space<hbm>> -> memref<1x4096xf32, #tpu.memory_space<hbm>>
        %dma_wait3A_147 = tpu.memref_squeeze %dma_wait3A_146 : memref<1x4096xf32, #tpu.memory_space<hbm>> -> memref<4096xf32, #tpu.memory_space<hbm>>
        tpu.wait_dma2 semaphore(%arg14 : memref<!tpu.dma_semaphore, #tpu.memory_space<semaphore_mem>>) src(%arg8 : memref<4096xf32, #tpu.memory_space<vmem>>) dst(%dma_wait3A_147 : memref<4096xf32, #tpu.memory_space<hbm>>)
        %dma_wait3A_148 = arith.constant 0 : i32
        %dma_wait3A_149 = tpu.memref_slice %arg4[%add3A_95, %dma_wait3A_148] : memref<1024x4096xf32, #tpu.memory_space<hbm>> -> memref<1x4096xf32, #tpu.memory_space<hbm>>
        %dma_wait3A_150 = tpu.memref_squeeze %dma_wait3A_149 : memref<1x4096xf32, #tpu.memory_space<hbm>> -> memref<4096xf32, #tpu.memory_space<hbm>>
        %dma_wait3A_151 = arith.constant 0 : i32
        %dma_wait3A_152 = tpu.memref_slice %arg4[%add3A_95, %dma_wait3A_151] : memref<1024x4096xf32, #tpu.memory_space<hbm>> -> memref<1x4096xf32, #tpu.memory_space<hbm>>
        %dma_wait3A_153 = tpu.memref_squeeze %dma_wait3A_152 : memref<1x4096xf32, #tpu.memory_space<hbm>> -> memref<4096xf32, #tpu.memory_space<hbm>>
        tpu.wait_dma2 semaphore(%arg14 : memref<!tpu.dma_semaphore, #tpu.memory_space<semaphore_mem>>) src(%arg10 : memref<4096xf32, #tpu.memory_space<vmem>>) dst(%dma_wait3A_153 : memref<4096xf32, #tpu.memory_space<hbm>>)
      } else {
      }
      %mul3A_107 = arith.constant 2 : i32
      %mul3A_108 = vector.broadcast %mul3A_107 : i32 to vector<16xi32>
      %mul3A_109 = arith.muli %mul3A_108, %iota3A : vector<16xi32>
      %and3A_110 = arith.constant 15 : i32
      %and3A_111 = vector.broadcast %and3A_110 : i32 to vector<16xi32>
      %and3A_112 = arith.andi %mul3A_109, %and3A_111 : vector<16xi32>
      %add3A_113 = arith.constant 1 : i32
      %add3A_114 = vector.broadcast %add3A_113 : i32 to vector<16xi32>
      %add3A_115 = arith.addi %and3A_112, %add3A_114 : vector<16xi32>
      %lt3A_116 = arith.constant 8 : i32
      %lt3A_117 = vector.broadcast %lt3A_116 : i32 to vector<16xi32>
      %lt3A_118 = arith.cmpi slt, %iota3A, %lt3A_117 : vector<16xi32>
      %parallel_loop3A_119 = arith.constant 0 : i32
      %parallel_loop3A_120 = arith.constant 256 : i32
      %parallel_loop3A_121 = arith.constant 1 : i32
      scf.for %parallel_loop3A_142 = %parallel_loop3A_119 to %parallel_loop3A_120 step %parallel_loop3A_121  : i32 {
        %parallel_loop3A_143 = arith.constant 32 : i32
        %parallel_loop3A_144 = arith.muli %parallel_loop3A_143, %parallel_loop3A_142 : i32
        %parallel_loop3A_145 = arith.index_cast %parallel_loop3A_144 : i32 to index
        %parallel_loop3A_146 = tpu.vector_load %arg6[%parallel_loop3A_145] {strides = array<i32>} : memref<8192xf32, #tpu.memory_space<vmem>>, vector<16xf32>,
        %parallel_loop3A_147 = arith.constant 32 : i32
        %parallel_loop3A_148 = arith.muli %parallel_loop3A_147, %parallel_loop3A_142 : i32
        %parallel_loop3A_149 = arith.constant 16 : i32
        %parallel_loop3A_150 = arith.addi %parallel_loop3A_148, %parallel_loop3A_149 : i32
        %parallel_loop3A_151 = arith.index_cast %parallel_loop3A_150 : i32 to index
        %parallel_loop3A_152 = tpu.vector_load %arg6[%parallel_loop3A_151] {strides = array<i32>} : memref<8192xf32, #tpu.memory_space<vmem>>, vector<16xf32>,
        %parallel_loop3A_153 = vector.shape_cast %and3A_112 : vector<16xi32> to vector<16x1xi32>
        %parallel_loop3A_154 = vector.shape_cast %parallel_loop3A_153 : vector<16x1xi32> to vector<16xi32>
        %parallel_loop3A_155 = tpu.dynamic_gather %parallel_loop3A_146[%parallel_loop3A_154] in [0] : vector<16xf32>, vector<16xi32> -> vector<16xf32>
        %parallel_loop3A_156 = vector.shape_cast %and3A_112 : vector<16xi32> to vector<16x1xi32>
        %parallel_loop3A_157 = vector.shape_cast %parallel_loop3A_156 : vector<16x1xi32> to vector<16xi32>
        %parallel_loop3A_158 = tpu.dynamic_gather %parallel_loop3A_152[%parallel_loop3A_157] in [0] : vector<16xf32>, vector<16xi32> -> vector<16xf32>
        %parallel_loop3A_159 = arith.select %lt3A_118, %parallel_loop3A_155, %parallel_loop3A_158 : vector<16xi1>, vector<16xf32>
        %parallel_loop3A_160 = vector.shape_cast %add3A_115 : vector<16xi32> to vector<16x1xi32>
        %parallel_loop3A_161 = vector.shape_cast %parallel_loop3A_160 : vector<16x1xi32> to vector<16xi32>
        %parallel_loop3A_162 = tpu.dynamic_gather %parallel_loop3A_146[%parallel_loop3A_161] in [0] : vector<16xf32>, vector<16xi32> -> vector<16xf32>
        %parallel_loop3A_163 = vector.shape_cast %add3A_115 : vector<16xi32> to vector<16x1xi32>
        %parallel_loop3A_164 = vector.shape_cast %parallel_loop3A_163 : vector<16x1xi32> to vector<16xi32>
        %parallel_loop3A_165 = tpu.dynamic_gather %parallel_loop3A_152[%parallel_loop3A_164] in [0] : vector<16xf32>, vector<16xi32> -> vector<16xf32>
        %parallel_loop3A_166 = arith.select %lt3A_118, %parallel_loop3A_162, %parallel_loop3A_165 : vector<16xi1>, vector<16xf32>
        %parallel_loop3A_167 = arith.constant 16 : i32
        %parallel_loop3A_168 = arith.muli %parallel_loop3A_167, %parallel_loop3A_142 : i32
        %parallel_loop3A_169 = arith.index_cast %parallel_loop3A_168 : i32 to index
        %parallel_loop3A_170 = tpu.vector_load %arg8[%parallel_loop3A_169] {strides = array<i32>} : memref<4096xf32, #tpu.memory_space<vmem>>, vector<16xf32>,
        tpu.vector_store %arg8[%parallel_loop3A_169], %parallel_loop3A_159 {strides = array<i32>} : memref<4096xf32, #tpu.memory_space<vmem>>, vector<16xf32>,
        %parallel_loop3A_171 = arith.constant 16 : i32
        %parallel_loop3A_172 = arith.muli %parallel_loop3A_171, %parallel_loop3A_142 : i32
        %parallel_loop3A_173 = arith.index_cast %parallel_loop3A_172 : i32 to index
        %parallel_loop3A_174 = tpu.vector_load %arg10[%parallel_loop3A_173] {strides = array<i32>} : memref<4096xf32, #tpu.memory_space<vmem>>, vector<16xf32>,
        tpu.vector_store %arg10[%parallel_loop3A_173], %parallel_loop3A_166 {strides = array<i32>} : memref<4096xf32, #tpu.memory_space<vmem>>, vector<16xf32>,
      } {sc.loop_unroll_factor = 8 : i64, sc.parallel_access}
      %dma_start3A_122 = arith.constant 0 : i32
      %dma_start3A_123 = tpu.memref_slice %arg3[%add3A_95, %dma_start3A_122] : memref<1024x4096xf32, #tpu.memory_space<hbm>> -> memref<1x4096xf32, #tpu.memory_space<hbm>>
      %dma_start3A_124 = tpu.memref_squeeze %dma_start3A_123 : memref<1x4096xf32, #tpu.memory_space<hbm>> -> memref<4096xf32, #tpu.memory_space<hbm>>
      %dma_start3A_125 = arith.constant 0 : i32
      %dma_start3A_126 = tpu.memref_slice %arg3[%add3A_95, %dma_start3A_125] : memref<1024x4096xf32, #tpu.memory_space<hbm>> -> memref<1x4096xf32, #tpu.memory_space<hbm>>
      %dma_start3A_127 = tpu.memref_squeeze %dma_start3A_126 : memref<1x4096xf32, #tpu.memory_space<hbm>> -> memref<4096xf32, #tpu.memory_space<hbm>>
      tpu.enqueue_dma source(%arg8 : memref<4096xf32, #tpu.memory_space<vmem>>) target(%dma_start3A_127 : memref<4096xf32, #tpu.memory_space<hbm>>) target_semaphore(%arg14 : memref<!tpu.dma_semaphore, #tpu.memory_space<semaphore_mem>>)
      %dma_start3A_128 = arith.constant 0 : i32
      %dma_start3A_129 = tpu.memref_slice %arg4[%add3A_95, %dma_start3A_128] : memref<1024x4096xf32, #tpu.memory_space<hbm>> -> memref<1x4096xf32, #tpu.memory_space<hbm>>
      %dma_start3A_130 = tpu.memref_squeeze %dma_start3A_129 : memref<1x4096xf32, #tpu.memory_space<hbm>> -> memref<4096xf32, #tpu.memory_space<hbm>>
      %dma_start3A_131 = arith.constant 0 : i32
      %dma_start3A_132 = tpu.memref_slice %arg4[%add3A_95, %dma_start3A_131] : memref<1024x4096xf32, #tpu.memory_space<hbm>> -> memref<1x4096xf32, #tpu.memory_space<hbm>>
      %dma_start3A_133 = tpu.memref_squeeze %dma_start3A_132 : memref<1x4096xf32, #tpu.memory_space<hbm>> -> memref<4096xf32, #tpu.memory_space<hbm>>
      tpu.enqueue_dma source(%arg10 : memref<4096xf32, #tpu.memory_space<vmem>>) target(%dma_start3A_133 : memref<4096xf32, #tpu.memory_space<hbm>>) target_semaphore(%arg14 : memref<!tpu.dma_semaphore, #tpu.memory_space<semaphore_mem>>)
      %add3A_134 = arith.constant 2 : i32
      %add3A_135 = arith.addi %add3A_94, %add3A_134 : i32
      %lt3A_136 = arith.constant 32 : i32
      %lt3A_137 = arith.cmpi slt, %add3A_135, %lt3A_136 : i32
      %convert_element_type3A_138 = arith.extui %lt3A_137 : i1 to i32
      %cond3A_139 = arith.constant 0 : i32
      %cond3A_140 = arith.cmpi ne, %convert_element_type3A_138, %cond3A_139 : i32
      scf.if %cond3A_140 {
        %add3A_142 = arith.constant 2 : i32
        %add3A_143 = arith.addi %add3A_95, %add3A_142 : i32
        %dma_start3A_144 = arith.constant 0 : i32
        %dma_start3A_145 = tpu.memref_slice %arg2[%add3A_143, %dma_start3A_144] : memref<1024x8192xf32, #tpu.memory_space<hbm>> -> memref<1x8192xf32, #tpu.memory_space<hbm>>
        %dma_start3A_146 = tpu.memref_squeeze %dma_start3A_145 : memref<1x8192xf32, #tpu.memory_space<hbm>> -> memref<8192xf32, #tpu.memory_space<hbm>>
        %dma_start3A_147 = arith.constant 0 : i32
        %dma_start3A_148 = tpu.memref_slice %arg2[%add3A_143, %dma_start3A_147] : memref<1024x8192xf32, #tpu.memory_space<hbm>> -> memref<1x8192xf32, #tpu.memory_space<hbm>>
        %dma_start3A_149 = tpu.memref_squeeze %dma_start3A_148 : memref<1x8192xf32, #tpu.memory_space<hbm>> -> memref<8192xf32, #tpu.memory_space<hbm>>
        tpu.enqueue_dma source(%dma_start3A_149 : memref<8192xf32, #tpu.memory_space<hbm>>) target(%arg6 : memref<8192xf32, #tpu.memory_space<vmem>>) target_semaphore(%arg12 : memref<!tpu.dma_semaphore, #tpu.memory_space<semaphore_mem>>)
      } else {
      }
      %scan3A_141 = arith.constant 0 : i32
      scf.yield %scan3A_141 : i32
    }
    %scan3A_21 = arith.constant 16 : i32
    %dma_wait3A = arith.constant 0 : i32
    %dma_wait3A_22 = tpu.memref_slice %arg3[%mul3A_2, %dma_wait3A] : memref<1024x4096xf32, #tpu.memory_space<hbm>> -> memref<1x4096xf32, #tpu.memory_space<hbm>>
    %dma_wait3A_23 = tpu.memref_squeeze %dma_wait3A_22 : memref<1x4096xf32, #tpu.memory_space<hbm>> -> memref<4096xf32, #tpu.memory_space<hbm>>
    %dma_wait3A_24 = arith.constant 0 : i32
    %dma_wait3A_25 = tpu.memref_slice %arg3[%mul3A_2, %dma_wait3A_24] : memref<1024x4096xf32, #tpu.memory_space<hbm>> -> memref<1x4096xf32, #tpu.memory_space<hbm>>
    %dma_wait3A_26 = tpu.memref_squeeze %dma_wait3A_25 : memref<1x4096xf32, #tpu.memory_space<hbm>> -> memref<4096xf32, #tpu.memory_space<hbm>>
    tpu.wait_dma2 semaphore(%arg13 : memref<!tpu.dma_semaphore, #tpu.memory_space<semaphore_mem>>) src(%arg7 : memref<4096xf32, #tpu.memory_space<vmem>>) dst(%dma_wait3A_26 : memref<4096xf32, #tpu.memory_space<hbm>>)
    %dma_wait3A_27 = arith.constant 0 : i32
    %dma_wait3A_28 = tpu.memref_slice %arg4[%mul3A_2, %dma_wait3A_27] : memref<1024x4096xf32, #tpu.memory_space<hbm>> -> memref<1x4096xf32, #tpu.memory_space<hbm>>
    %dma_wait3A_29 = tpu.memref_squeeze %dma_wait3A_28 : memref<1x4096xf32, #tpu.memory_space<hbm>> -> memref<4096xf32, #tpu.memory_space<hbm>>
    %dma_wait3A_30 = arith.constant 0 : i32
    %dma_wait3A_31 = tpu.memref_slice %arg4[%mul3A_2, %dma_wait3A_30] : memref<1024x4096xf32, #tpu.memory_space<hbm>> -> memref<1x4096xf32, #tpu.memory_space<hbm>>
    %dma_wait3A_32 = tpu.memref_squeeze %dma_wait3A_31 : memref<1x4096xf32, #tpu.memory_space<hbm>> -> memref<4096xf32, #tpu.memory_space<hbm>>
    tpu.wait_dma2 semaphore(%arg13 : memref<!tpu.dma_semaphore, #tpu.memory_space<semaphore_mem>>) src(%arg9 : memref<4096xf32, #tpu.memory_space<vmem>>) dst(%dma_wait3A_32 : memref<4096xf32, #tpu.memory_space<hbm>>)
    %dma_wait3A_33 = arith.constant 0 : i32
    %dma_wait3A_34 = tpu.memref_slice %arg3[%mul3A_2, %dma_wait3A_33] : memref<1024x4096xf32, #tpu.memory_space<hbm>> -> memref<1x4096xf32, #tpu.memory_space<hbm>>
    %dma_wait3A_35 = tpu.memref_squeeze %dma_wait3A_34 : memref<1x4096xf32, #tpu.memory_space<hbm>> -> memref<4096xf32, #tpu.memory_space<hbm>>
    %dma_wait3A_36 = arith.constant 0 : i32
    %dma_wait3A_37 = tpu.memref_slice %arg3[%mul3A_2, %dma_wait3A_36] : memref<1024x4096xf32, #tpu.memory_space<hbm>> -> memref<1x4096xf32, #tpu.memory_space<hbm>>
    %dma_wait3A_38 = tpu.memref_squeeze %dma_wait3A_37 : memref<1x4096xf32, #tpu.memory_space<hbm>> -> memref<4096xf32, #tpu.memory_space<hbm>>
    tpu.wait_dma2 semaphore(%arg14 : memref<!tpu.dma_semaphore, #tpu.memory_space<semaphore_mem>>) src(%arg8 : memref<4096xf32, #tpu.memory_space<vmem>>) dst(%dma_wait3A_38 : memref<4096xf32, #tpu.memory_space<hbm>>)
    %dma_wait3A_39 = arith.constant 0 : i32
    %dma_wait3A_40 = tpu.memref_slice %arg4[%mul3A_2, %dma_wait3A_39] : memref<1024x4096xf32, #tpu.memory_space<hbm>> -> memref<1x4096xf32, #tpu.memory_space<hbm>>
    %dma_wait3A_41 = tpu.memref_squeeze %dma_wait3A_40 : memref<1x4096xf32, #tpu.memory_space<hbm>> -> memref<4096xf32, #tpu.memory_space<hbm>>
    %dma_wait3A_42 = arith.constant 0 : i32
    %dma_wait3A_43 = tpu.memref_slice %arg4[%mul3A_2, %dma_wait3A_42] : memref<1024x4096xf32, #tpu.memory_space<hbm>> -> memref<1x4096xf32, #tpu.memory_space<hbm>>
    %dma_wait3A_44 = tpu.memref_squeeze %dma_wait3A_43 : memref<1x4096xf32, #tpu.memory_space<hbm>> -> memref<4096xf32, #tpu.memory_space<hbm>>
    tpu.wait_dma2 semaphore(%arg14 : memref<!tpu.dma_semaphore, #tpu.memory_space<semaphore_mem>>) src(%arg10 : memref<4096xf32, #tpu.memory_space<vmem>>) dst(%dma_wait3A_44 : memref<4096xf32, #tpu.memory_space<hbm>>)
    return
  }
}

module attributes {stable_mosaic.version = 14 : i64} {
  func.func @_tc_block_kernel(%arg0: i32, %arg1: memref<1x1xf32, #tpu.memory_space<smem>>, %arg2: memref<1x1xf32, #tpu.memory_space<smem>>, %arg3: memref<128x4096xf32, #tpu.memory_space<vmem>>, %arg4: memref<128x4096xf32, #tpu.memory_space<vmem>>, %arg5: memref<128x4096xf32, #tpu.memory_space<vmem>>, %arg6: memref<128x4096xf32, #tpu.memory_space<vmem>>, %arg7: memref<128x1xf32, #tpu.memory_space<vmem>>, %arg8: memref<128x1xf32, #tpu.memory_space<vmem>>, %arg9: memref<128x1xf32, #tpu.memory_space<vmem>>, %arg10: memref<1x1xf32, #tpu.memory_space<smem>>) attributes {dimension_semantics = [#tpu.dimension_semantics<arbitrary>], iteration_bounds = array<i64: 8>, scalar_prefetch = 0 : i64, scratch_operands = 0 : i64, tpu.core_type = #tpu.core_type<tc>, window_params = [{transform_indices = @transform_0, window_bounds = array<i64: 1, 1>}, {transform_indices = @transform_1, window_bounds = array<i64: 1, 1>}, {transform_indices = @transform_2, window_bounds = array<i64: 128, 4096>}, {transform_indices = @transform_3, window_bounds = array<i64: 128, 4096>}, {transform_indices = @transform_4, window_bounds = array<i64: 128, 4096>}, {transform_indices = @transform_5, window_bounds = array<i64: 128, 4096>}, {transform_indices = @transform_6, window_bounds = array<i64: 128, 1>}, {transform_indices = @transform_7, window_bounds = array<i64: 128, 1>}, {transform_indices = @transform_8, window_bounds = array<i64: 128, 1>}, {transform_indices = @transform_9, window_bounds = array<i64: 1, 1>}]} {
    %get3A = arith.constant 0 : index
    %get3A_0 = arith.constant 0 : index
    %get3A_1 = vector.load %arg3[%get3A, %get3A_0] : memref<128x4096xf32, #tpu.memory_space<vmem>>, vector<128x4096xf32>
    %get3A_2 = arith.constant 0 : index
    %get3A_3 = arith.constant 0 : index
    %get3A_4 = vector.load %arg4[%get3A_2, %get3A_3] : memref<128x4096xf32, #tpu.memory_space<vmem>>, vector<128x4096xf32>
    %slice3A = vector.extract_strided_slice %get3A_1 {offsets = [0, 1], sizes = [128, 4095], strides = [1, 1]} : vector<128x4096xf32> to vector<128x4095xf32>
    %slice3A_5 = vector.extract_strided_slice %get3A_1 {offsets = [0, 0], sizes = [128, 1], strides = [1, 1]} : vector<128x4096xf32> to vector<128x1xf32>
    %concatenate3A = tpu.concatenate %slice3A, %slice3A_5 in 1 : vector<128x4095xf32>, vector<128x1xf32> -> vector<128x4096xf32>
    %sub3A = arith.subf %concatenate3A, %get3A_1 : vector<128x4096xf32>
    %slice3A_6 = vector.extract_strided_slice %get3A_4 {offsets = [0, 1], sizes = [128, 4095], strides = [1, 1]} : vector<128x4096xf32> to vector<128x4095xf32>
    %slice3A_7 = vector.extract_strided_slice %get3A_4 {offsets = [0, 0], sizes = [128, 1], strides = [1, 1]} : vector<128x4096xf32> to vector<128x1xf32>
    %concatenate3A_8 = tpu.concatenate %slice3A_6, %slice3A_7 in 1 : vector<128x4095xf32>, vector<128x1xf32> -> vector<128x4096xf32>
    %sub3A_9 = arith.subf %concatenate3A_8, %get3A_4 : vector<128x4096xf32>
    %mul3A = arith.mulf %sub3A, %sub3A : vector<128x4096xf32>
    %mul3A_10 = arith.mulf %sub3A_9, %sub3A_9 : vector<128x4096xf32>
    %add3A = arith.addf %mul3A, %mul3A_10 : vector<128x4096xf32>
    %max3A = arith.constant 9.99999997E-7 : f32
    %max3A_11 = vector.broadcast %max3A : f32 to vector<128x4096xf32>
    %max3A_12 = arith.maximumf %add3A, %max3A_11 : vector<128x4096xf32>
    %sqrt3A = math.sqrt %max3A_12 : vector<128x4096xf32>
    %div3A = arith.divf %add3A, %max3A_12 : vector<128x4096xf32>
    %max3A_13 = arith.constant 9.99999997E-7 : f32
    %max3A_14 = vector.broadcast %max3A_13 : f32 to vector<128x4096xf32>
    %max3A_15 = arith.maximumf %div3A, %max3A_14 : vector<128x4096xf32>
    %sqrt3A_16 = math.sqrt %max3A_15 : vector<128x4096xf32>
    %slice3A_17 = vector.extract_strided_slice %sub3A {offsets = [0, 1], sizes = [128, 4095], strides = [1, 1]} : vector<128x4096xf32> to vector<128x4095xf32>
    %slice3A_18 = vector.extract_strided_slice %sub3A {offsets = [0, 0], sizes = [128, 1], strides = [1, 1]} : vector<128x4096xf32> to vector<128x1xf32>
    %concatenate3A_19 = tpu.concatenate %slice3A_17, %slice3A_18 in 1 : vector<128x4095xf32>, vector<128x1xf32> -> vector<128x4096xf32>
    %mul3A_20 = arith.mulf %sub3A, %concatenate3A_19 : vector<128x4096xf32>
    %slice3A_21 = vector.extract_strided_slice %sub3A_9 {offsets = [0, 1], sizes = [128, 4095], strides = [1, 1]} : vector<128x4096xf32> to vector<128x4095xf32>
    %slice3A_22 = vector.extract_strided_slice %sub3A_9 {offsets = [0, 0], sizes = [128, 1], strides = [1, 1]} : vector<128x4096xf32> to vector<128x1xf32>
    %concatenate3A_23 = tpu.concatenate %slice3A_21, %slice3A_22 in 1 : vector<128x4095xf32>, vector<128x1xf32> -> vector<128x4096xf32>
    %mul3A_24 = arith.mulf %sub3A_9, %concatenate3A_23 : vector<128x4096xf32>
    %add3A_25 = arith.addf %mul3A_20, %mul3A_24 : vector<128x4096xf32>
    %slice3A_26 = vector.extract_strided_slice %sqrt3A {offsets = [0, 1], sizes = [128, 4095], strides = [1, 1]} : vector<128x4096xf32> to vector<128x4095xf32>
    %slice3A_27 = vector.extract_strided_slice %sqrt3A {offsets = [0, 0], sizes = [128, 1], strides = [1, 1]} : vector<128x4096xf32> to vector<128x1xf32>
    %concatenate3A_28 = tpu.concatenate %slice3A_26, %slice3A_27 in 1 : vector<128x4095xf32>, vector<128x1xf32> -> vector<128x4096xf32>
    %mul3A_29 = arith.mulf %sqrt3A, %concatenate3A_28 : vector<128x4096xf32>
    %slice3A_30 = vector.extract_strided_slice %sqrt3A_16 {offsets = [0, 1], sizes = [128, 4095], strides = [1, 1]} : vector<128x4096xf32> to vector<128x4095xf32>
    %slice3A_31 = vector.extract_strided_slice %sqrt3A_16 {offsets = [0, 0], sizes = [128, 1], strides = [1, 1]} : vector<128x4096xf32> to vector<128x1xf32>
    %concatenate3A_32 = tpu.concatenate %slice3A_30, %slice3A_31 in 1 : vector<128x4095xf32>, vector<128x1xf32> -> vector<128x4096xf32>
    %mul3A_33 = arith.mulf %sqrt3A_16, %concatenate3A_32 : vector<128x4096xf32>
    %max3A_34 = arith.constant 9.99999997E-7 : f32
    %max3A_35 = vector.broadcast %max3A_34 : f32 to vector<128x4096xf32>
    %max3A_36 = arith.maximumf %mul3A_33, %max3A_35 : vector<128x4096xf32>
    %mul3A_37 = arith.mulf %mul3A_29, %max3A_36 : vector<128x4096xf32>
    %div3A_38 = arith.divf %add3A_25, %mul3A_37 : vector<128x4096xf32>
    %sub3A_39 = arith.constant 1.000000e+00 : f32
    %sub3A_40 = vector.broadcast %sub3A_39 : f32 to vector<128x4096xf32>
    %sub3A_41 = arith.subf %sub3A_40, %div3A_38 : vector<128x4096xf32>
    %iota3A = tpu.iota {dimensions = array<i32: 1>} : vector<128x4096xi32>
    %ge3A = arith.constant 1 : i32
    %ge3A_42 = vector.broadcast %ge3A : i32 to vector<128x4096xi32>
    %ge3A_43 = arith.cmpi sge, %iota3A, %ge3A_42 : vector<128x4096xi32>
    %le3A = arith.constant 4094 : i32
    %le3A_44 = vector.broadcast %le3A : i32 to vector<128x4096xi32>
    %le3A_45 = arith.cmpi sle, %iota3A, %le3A_44 : vector<128x4096xi32>
    %and3A = arith.andi %ge3A_43, %le3A_45 : vector<128x4096xi1>
    %slice3A_46 = vector.extract_strided_slice %sub3A_41 {offsets = [0, 4095], sizes = [128, 1], strides = [1, 1]} : vector<128x4096xf32> to vector<128x1xf32>
    %slice3A_47 = vector.extract_strided_slice %sub3A_41 {offsets = [0, 0], sizes = [128, 4095], strides = [1, 1]} : vector<128x4096xf32> to vector<128x4095xf32>
    %concatenate3A_48 = tpu.concatenate %slice3A_46, %slice3A_47 in 1 : vector<128x1xf32>, vector<128x4095xf32> -> vector<128x4096xf32>
    %jit3A = arith.constant 0.000000e+00 : f32
    %broadcast_in_dim3A = vector.broadcast %jit3A : f32 to vector<128x4096xf32>
    %select_n3A = arith.select %and3A, %concatenate3A_48, %broadcast_in_dim3A : vector<128x4096xi1>, vector<128x4096xf32>
    %swap3A = arith.constant 0 : index
    %swap3A_49 = arith.constant 0 : index
    %swap3A_50 = vector.load %arg5[%swap3A, %swap3A_49] : memref<128x4096xf32, #tpu.memory_space<vmem>>, vector<128x4096xf32>
    tpu.vector_store %arg5[%swap3A, %swap3A_49], %select_n3A {strides = array<i32>} : memref<128x4096xf32, #tpu.memory_space<vmem>>, vector<128x4096xf32>,
    %jit3A_51 = arith.constant 3.000000e+00 : f32
    %broadcast_in_dim3A_52 = vector.broadcast %jit3A_51 : f32 to vector<128x4096xf32>
    %select_n3A_53 = arith.select %and3A, %select_n3A, %broadcast_in_dim3A_52 : vector<128x4096xi1>, vector<128x4096xf32>
    %broadcast_in_dim3A_54 = arith.constant 0.000000e+00 : f32
    %broadcast_in_dim3A_55 = vector.broadcast %broadcast_in_dim3A_54 : f32 to vector<128x1xf32>
    %broadcast_in_dim3A_56 = arith.constant 2.125000e+00 : f32
    %broadcast_in_dim3A_57 = vector.broadcast %broadcast_in_dim3A_56 : f32 to vector<128x1xf32>
    %add3A_58 = arith.addf %broadcast_in_dim3A_55, %broadcast_in_dim3A_57 : vector<128x1xf32>
    %mul3A_59 = arith.constant 5.000000e-01 : f32
    %mul3A_60 = vector.broadcast %mul3A_59 : f32 to vector<128x1xf32>
    %mul3A_61 = arith.mulf %mul3A_60, %add3A_58 : vector<128x1xf32>
    %le3A_62 = vector.broadcast %mul3A_61 : vector<128x1xf32> to vector<128x4096xf32>
    %le3A_63 = arith.cmpf ole, %select_n3A_53, %le3A_62 : vector<128x4096xf32>
    %convert_element_type3A = arith.extui %le3A_63 : vector<128x4096xi1> to vector<128x4096xi32>
    %convert_element_type3A_64 = arith.sitofp %convert_element_type3A : vector<128x4096xi32> to vector<128x4096xf32>
    %reduce_sum3A = arith.constant dense<0.000000e+00> : vector<128xf32>
    %reduce_sum3A_65 = vector.multi_reduction <add>, %convert_element_type3A_64, %reduce_sum3A [1] : vector<128x4096xf32> to vector<128xf32>
    %broadcast_in_dim3A_66 = vector.shape_cast %reduce_sum3A_65 : vector<128xf32> to vector<128x1xf32>
    %ge3A_67 = arith.constant 2.047000e+03 : f32
    %ge3A_68 = vector.broadcast %ge3A_67 : f32 to vector<128x1xf32>
    %ge3A_69 = arith.cmpf oge, %broadcast_in_dim3A_66, %ge3A_68 : vector<128x1xf32>
    %select_n3A_70 = arith.select %ge3A_69, %mul3A_61, %broadcast_in_dim3A_57 : vector<128x1xi1>, vector<128x1xf32>
    %select_n3A_71 = arith.select %ge3A_69, %broadcast_in_dim3A_55, %mul3A_61 : vector<128x1xi1>, vector<128x1xf32>
    %add3A_72 = arith.addf %select_n3A_71, %select_n3A_70 : vector<128x1xf32>
    %mul3A_73 = arith.constant 5.000000e-01 : f32
    %mul3A_74 = vector.broadcast %mul3A_73 : f32 to vector<128x1xf32>
    %mul3A_75 = arith.mulf %mul3A_74, %add3A_72 : vector<128x1xf32>
    %le3A_76 = vector.broadcast %mul3A_75 : vector<128x1xf32> to vector<128x4096xf32>
    %le3A_77 = arith.cmpf ole, %select_n3A_53, %le3A_76 : vector<128x4096xf32>
    %convert_element_type3A_78 = arith.extui %le3A_77 : vector<128x4096xi1> to vector<128x4096xi32>
    %convert_element_type3A_79 = arith.sitofp %convert_element_type3A_78 : vector<128x4096xi32> to vector<128x4096xf32>
    %reduce_sum3A_80 = arith.constant dense<0.000000e+00> : vector<128xf32>
    %reduce_sum3A_81 = vector.multi_reduction <add>, %convert_element_type3A_79, %reduce_sum3A_80 [1] : vector<128x4096xf32> to vector<128xf32>
    %broadcast_in_dim3A_82 = vector.shape_cast %reduce_sum3A_81 : vector<128xf32> to vector<128x1xf32>
    %ge3A_83 = arith.constant 2.047000e+03 : f32
    %ge3A_84 = vector.broadcast %ge3A_83 : f32 to vector<128x1xf32>
    %ge3A_85 = arith.cmpf oge, %broadcast_in_dim3A_82, %ge3A_84 : vector<128x1xf32>
    %select_n3A_86 = arith.select %ge3A_85, %mul3A_75, %select_n3A_70 : vector<128x1xi1>, vector<128x1xf32>
    %select_n3A_87 = arith.select %ge3A_85, %select_n3A_71, %mul3A_75 : vector<128x1xi1>, vector<128x1xf32>
    %add3A_88 = arith.addf %select_n3A_87, %select_n3A_86 : vector<128x1xf32>
    %mul3A_89 = arith.constant 5.000000e-01 : f32
    %mul3A_90 = vector.broadcast %mul3A_89 : f32 to vector<128x1xf32>
    %mul3A_91 = arith.mulf %mul3A_90, %add3A_88 : vector<128x1xf32>
    %le3A_92 = vector.broadcast %mul3A_91 : vector<128x1xf32> to vector<128x4096xf32>
    %le3A_93 = arith.cmpf ole, %select_n3A_53, %le3A_92 : vector<128x4096xf32>
    %convert_element_type3A_94 = arith.extui %le3A_93 : vector<128x4096xi1> to vector<128x4096xi32>
    %convert_element_type3A_95 = arith.sitofp %convert_element_type3A_94 : vector<128x4096xi32> to vector<128x4096xf32>
    %reduce_sum3A_96 = arith.constant dense<0.000000e+00> : vector<128xf32>
    %reduce_sum3A_97 = vector.multi_reduction <add>, %convert_element_type3A_95, %reduce_sum3A_96 [1] : vector<128x4096xf32> to vector<128xf32>
    %broadcast_in_dim3A_98 = vector.shape_cast %reduce_sum3A_97 : vector<128xf32> to vector<128x1xf32>
    %ge3A_99 = arith.constant 2.047000e+03 : f32
    %ge3A_100 = vector.broadcast %ge3A_99 : f32 to vector<128x1xf32>
    %ge3A_101 = arith.cmpf oge, %broadcast_in_dim3A_98, %ge3A_100 : vector<128x1xf32>
    %select_n3A_102 = arith.select %ge3A_101, %mul3A_91, %select_n3A_86 : vector<128x1xi1>, vector<128x1xf32>
    %select_n3A_103 = arith.select %ge3A_101, %select_n3A_87, %mul3A_91 : vector<128x1xi1>, vector<128x1xf32>
    %add3A_104 = arith.addf %select_n3A_103, %select_n3A_102 : vector<128x1xf32>
    %mul3A_105 = arith.constant 5.000000e-01 : f32
    %mul3A_106 = vector.broadcast %mul3A_105 : f32 to vector<128x1xf32>
    %mul3A_107 = arith.mulf %mul3A_106, %add3A_104 : vector<128x1xf32>
    %le3A_108 = vector.broadcast %mul3A_107 : vector<128x1xf32> to vector<128x4096xf32>
    %le3A_109 = arith.cmpf ole, %select_n3A_53, %le3A_108 : vector<128x4096xf32>
    %convert_element_type3A_110 = arith.extui %le3A_109 : vector<128x4096xi1> to vector<128x4096xi32>
    %convert_element_type3A_111 = arith.sitofp %convert_element_type3A_110 : vector<128x4096xi32> to vector<128x4096xf32>
    %reduce_sum3A_112 = arith.constant dense<0.000000e+00> : vector<128xf32>
    %reduce_sum3A_113 = vector.multi_reduction <add>, %convert_element_type3A_111, %reduce_sum3A_112 [1] : vector<128x4096xf32> to vector<128xf32>
    %broadcast_in_dim3A_114 = vector.shape_cast %reduce_sum3A_113 : vector<128xf32> to vector<128x1xf32>
    %ge3A_115 = arith.constant 2.047000e+03 : f32
    %ge3A_116 = vector.broadcast %ge3A_115 : f32 to vector<128x1xf32>
    %ge3A_117 = arith.cmpf oge, %broadcast_in_dim3A_114, %ge3A_116 : vector<128x1xf32>
    %select_n3A_118 = arith.select %ge3A_117, %mul3A_107, %select_n3A_102 : vector<128x1xi1>, vector<128x1xf32>
    %select_n3A_119 = arith.select %ge3A_117, %select_n3A_103, %mul3A_107 : vector<128x1xi1>, vector<128x1xf32>
    %add3A_120 = arith.addf %select_n3A_119, %select_n3A_118 : vector<128x1xf32>
    %mul3A_121 = arith.constant 5.000000e-01 : f32
    %mul3A_122 = vector.broadcast %mul3A_121 : f32 to vector<128x1xf32>
    %mul3A_123 = arith.mulf %mul3A_122, %add3A_120 : vector<128x1xf32>
    %le3A_124 = vector.broadcast %mul3A_123 : vector<128x1xf32> to vector<128x4096xf32>
    %le3A_125 = arith.cmpf ole, %select_n3A_53, %le3A_124 : vector<128x4096xf32>
    %convert_element_type3A_126 = arith.extui %le3A_125 : vector<128x4096xi1> to vector<128x4096xi32>
    %convert_element_type3A_127 = arith.sitofp %convert_element_type3A_126 : vector<128x4096xi32> to vector<128x4096xf32>
    %reduce_sum3A_128 = arith.constant dense<0.000000e+00> : vector<128xf32>
    %reduce_sum3A_129 = vector.multi_reduction <add>, %convert_element_type3A_127, %reduce_sum3A_128 [1] : vector<128x4096xf32> to vector<128xf32>
    %broadcast_in_dim3A_130 = vector.shape_cast %reduce_sum3A_129 : vector<128xf32> to vector<128x1xf32>
    %ge3A_131 = arith.constant 2.047000e+03 : f32
    %ge3A_132 = vector.broadcast %ge3A_131 : f32 to vector<128x1xf32>
    %ge3A_133 = arith.cmpf oge, %broadcast_in_dim3A_130, %ge3A_132 : vector<128x1xf32>
    %select_n3A_134 = arith.select %ge3A_133, %mul3A_123, %select_n3A_118 : vector<128x1xi1>, vector<128x1xf32>
    %select_n3A_135 = arith.select %ge3A_133, %select_n3A_119, %mul3A_123 : vector<128x1xi1>, vector<128x1xf32>
    %add3A_136 = arith.addf %select_n3A_135, %select_n3A_134 : vector<128x1xf32>
    %mul3A_137 = arith.constant 5.000000e-01 : f32
    %mul3A_138 = vector.broadcast %mul3A_137 : f32 to vector<128x1xf32>
    %mul3A_139 = arith.mulf %mul3A_138, %add3A_136 : vector<128x1xf32>
    %le3A_140 = vector.broadcast %mul3A_139 : vector<128x1xf32> to vector<128x4096xf32>
    %le3A_141 = arith.cmpf ole, %select_n3A_53, %le3A_140 : vector<128x4096xf32>
    %convert_element_type3A_142 = arith.extui %le3A_141 : vector<128x4096xi1> to vector<128x4096xi32>
    %convert_element_type3A_143 = arith.sitofp %convert_element_type3A_142 : vector<128x4096xi32> to vector<128x4096xf32>
    %reduce_sum3A_144 = arith.constant dense<0.000000e+00> : vector<128xf32>
    %reduce_sum3A_145 = vector.multi_reduction <add>, %convert_element_type3A_143, %reduce_sum3A_144 [1] : vector<128x4096xf32> to vector<128xf32>
    %broadcast_in_dim3A_146 = vector.shape_cast %reduce_sum3A_145 : vector<128xf32> to vector<128x1xf32>
    %ge3A_147 = arith.constant 2.047000e+03 : f32
    %ge3A_148 = vector.broadcast %ge3A_147 : f32 to vector<128x1xf32>
    %ge3A_149 = arith.cmpf oge, %broadcast_in_dim3A_146, %ge3A_148 : vector<128x1xf32>
    %select_n3A_150 = arith.select %ge3A_149, %mul3A_139, %select_n3A_134 : vector<128x1xi1>, vector<128x1xf32>
    %select_n3A_151 = arith.select %ge3A_149, %select_n3A_135, %mul3A_139 : vector<128x1xi1>, vector<128x1xf32>
    %add3A_152 = arith.addf %select_n3A_151, %select_n3A_150 : vector<128x1xf32>
    %mul3A_153 = arith.constant 5.000000e-01 : f32
    %mul3A_154 = vector.broadcast %mul3A_153 : f32 to vector<128x1xf32>
    %mul3A_155 = arith.mulf %mul3A_154, %add3A_152 : vector<128x1xf32>
    %le3A_156 = vector.broadcast %mul3A_155 : vector<128x1xf32> to vector<128x4096xf32>
    %le3A_157 = arith.cmpf ole, %select_n3A_53, %le3A_156 : vector<128x4096xf32>
    %convert_element_type3A_158 = arith.extui %le3A_157 : vector<128x4096xi1> to vector<128x4096xi32>
    %convert_element_type3A_159 = arith.sitofp %convert_element_type3A_158 : vector<128x4096xi32> to vector<128x4096xf32>
    %reduce_sum3A_160 = arith.constant dense<0.000000e+00> : vector<128xf32>
    %reduce_sum3A_161 = vector.multi_reduction <add>, %convert_element_type3A_159, %reduce_sum3A_160 [1] : vector<128x4096xf32> to vector<128xf32>
    %broadcast_in_dim3A_162 = vector.shape_cast %reduce_sum3A_161 : vector<128xf32> to vector<128x1xf32>
    %ge3A_163 = arith.constant 2.047000e+03 : f32
    %ge3A_164 = vector.broadcast %ge3A_163 : f32 to vector<128x1xf32>
    %ge3A_165 = arith.cmpf oge, %broadcast_in_dim3A_162, %ge3A_164 : vector<128x1xf32>
    %select_n3A_166 = arith.select %ge3A_165, %mul3A_155, %select_n3A_150 : vector<128x1xi1>, vector<128x1xf32>
    %select_n3A_167 = arith.select %ge3A_165, %select_n3A_151, %mul3A_155 : vector<128x1xi1>, vector<128x1xf32>
    %add3A_168 = arith.addf %select_n3A_167, %select_n3A_166 : vector<128x1xf32>
    %mul3A_169 = arith.constant 5.000000e-01 : f32
    %mul3A_170 = vector.broadcast %mul3A_169 : f32 to vector<128x1xf32>
    %mul3A_171 = arith.mulf %mul3A_170, %add3A_168 : vector<128x1xf32>
    %le3A_172 = vector.broadcast %mul3A_171 : vector<128x1xf32> to vector<128x4096xf32>
    %le3A_173 = arith.cmpf ole, %select_n3A_53, %le3A_172 : vector<128x4096xf32>
    %convert_element_type3A_174 = arith.extui %le3A_173 : vector<128x4096xi1> to vector<128x4096xi32>
    %convert_element_type3A_175 = arith.sitofp %convert_element_type3A_174 : vector<128x4096xi32> to vector<128x4096xf32>
    %reduce_sum3A_176 = arith.constant dense<0.000000e+00> : vector<128xf32>
    %reduce_sum3A_177 = vector.multi_reduction <add>, %convert_element_type3A_175, %reduce_sum3A_176 [1] : vector<128x4096xf32> to vector<128xf32>
    %broadcast_in_dim3A_178 = vector.shape_cast %reduce_sum3A_177 : vector<128xf32> to vector<128x1xf32>
    %ge3A_179 = arith.constant 2.047000e+03 : f32
    %ge3A_180 = vector.broadcast %ge3A_179 : f32 to vector<128x1xf32>
    %ge3A_181 = arith.cmpf oge, %broadcast_in_dim3A_178, %ge3A_180 : vector<128x1xf32>
    %select_n3A_182 = arith.select %ge3A_181, %mul3A_171, %select_n3A_166 : vector<128x1xi1>, vector<128x1xf32>
    %select_n3A_183 = arith.select %ge3A_181, %select_n3A_167, %mul3A_171 : vector<128x1xi1>, vector<128x1xf32>
    %add3A_184 = arith.addf %select_n3A_183, %select_n3A_182 : vector<128x1xf32>
    %mul3A_185 = arith.constant 5.000000e-01 : f32
    %mul3A_186 = vector.broadcast %mul3A_185 : f32 to vector<128x1xf32>
    %mul3A_187 = arith.mulf %mul3A_186, %add3A_184 : vector<128x1xf32>
    %le3A_188 = vector.broadcast %mul3A_187 : vector<128x1xf32> to vector<128x4096xf32>
    %le3A_189 = arith.cmpf ole, %select_n3A_53, %le3A_188 : vector<128x4096xf32>
    %convert_element_type3A_190 = arith.extui %le3A_189 : vector<128x4096xi1> to vector<128x4096xi32>
    %convert_element_type3A_191 = arith.sitofp %convert_element_type3A_190 : vector<128x4096xi32> to vector<128x4096xf32>
    %reduce_sum3A_192 = arith.constant dense<0.000000e+00> : vector<128xf32>
    %reduce_sum3A_193 = vector.multi_reduction <add>, %convert_element_type3A_191, %reduce_sum3A_192 [1] : vector<128x4096xf32> to vector<128xf32>
    %broadcast_in_dim3A_194 = vector.shape_cast %reduce_sum3A_193 : vector<128xf32> to vector<128x1xf32>
    %ge3A_195 = arith.constant 2.047000e+03 : f32
    %ge3A_196 = vector.broadcast %ge3A_195 : f32 to vector<128x1xf32>
    %ge3A_197 = arith.cmpf oge, %broadcast_in_dim3A_194, %ge3A_196 : vector<128x1xf32>
    %select_n3A_198 = arith.select %ge3A_197, %mul3A_187, %select_n3A_182 : vector<128x1xi1>, vector<128x1xf32>
    %select_n3A_199 = arith.select %ge3A_197, %select_n3A_183, %mul3A_187 : vector<128x1xi1>, vector<128x1xf32>
    %add3A_200 = arith.addf %select_n3A_199, %select_n3A_198 : vector<128x1xf32>
    %mul3A_201 = arith.constant 5.000000e-01 : f32
    %mul3A_202 = vector.broadcast %mul3A_201 : f32 to vector<128x1xf32>
    %mul3A_203 = arith.mulf %mul3A_202, %add3A_200 : vector<128x1xf32>
    %le3A_204 = vector.broadcast %mul3A_203 : vector<128x1xf32> to vector<128x4096xf32>
    %le3A_205 = arith.cmpf ole, %select_n3A_53, %le3A_204 : vector<128x4096xf32>
    %convert_element_type3A_206 = arith.extui %le3A_205 : vector<128x4096xi1> to vector<128x4096xi32>
    %convert_element_type3A_207 = arith.sitofp %convert_element_type3A_206 : vector<128x4096xi32> to vector<128x4096xf32>
    %reduce_sum3A_208 = arith.constant dense<0.000000e+00> : vector<128xf32>
    %reduce_sum3A_209 = vector.multi_reduction <add>, %convert_element_type3A_207, %reduce_sum3A_208 [1] : vector<128x4096xf32> to vector<128xf32>
    %broadcast_in_dim3A_210 = vector.shape_cast %reduce_sum3A_209 : vector<128xf32> to vector<128x1xf32>
    %ge3A_211 = arith.constant 2.047000e+03 : f32
    %ge3A_212 = vector.broadcast %ge3A_211 : f32 to vector<128x1xf32>
    %ge3A_213 = arith.cmpf oge, %broadcast_in_dim3A_210, %ge3A_212 : vector<128x1xf32>
    %select_n3A_214 = arith.select %ge3A_213, %mul3A_203, %select_n3A_198 : vector<128x1xi1>, vector<128x1xf32>
    %select_n3A_215 = arith.select %ge3A_213, %select_n3A_199, %mul3A_203 : vector<128x1xi1>, vector<128x1xf32>
    %add3A_216 = arith.addf %select_n3A_215, %select_n3A_214 : vector<128x1xf32>
    %mul3A_217 = arith.constant 5.000000e-01 : f32
    %mul3A_218 = vector.broadcast %mul3A_217 : f32 to vector<128x1xf32>
    %mul3A_219 = arith.mulf %mul3A_218, %add3A_216 : vector<128x1xf32>
    %le3A_220 = vector.broadcast %mul3A_219 : vector<128x1xf32> to vector<128x4096xf32>
    %le3A_221 = arith.cmpf ole, %select_n3A_53, %le3A_220 : vector<128x4096xf32>
    %convert_element_type3A_222 = arith.extui %le3A_221 : vector<128x4096xi1> to vector<128x4096xi32>
    %convert_element_type3A_223 = arith.sitofp %convert_element_type3A_222 : vector<128x4096xi32> to vector<128x4096xf32>
    %reduce_sum3A_224 = arith.constant dense<0.000000e+00> : vector<128xf32>
    %reduce_sum3A_225 = vector.multi_reduction <add>, %convert_element_type3A_223, %reduce_sum3A_224 [1] : vector<128x4096xf32> to vector<128xf32>
    %broadcast_in_dim3A_226 = vector.shape_cast %reduce_sum3A_225 : vector<128xf32> to vector<128x1xf32>
    %ge3A_227 = arith.constant 2.047000e+03 : f32
    %ge3A_228 = vector.broadcast %ge3A_227 : f32 to vector<128x1xf32>
    %ge3A_229 = arith.cmpf oge, %broadcast_in_dim3A_226, %ge3A_228 : vector<128x1xf32>
    %select_n3A_230 = arith.select %ge3A_229, %mul3A_219, %select_n3A_214 : vector<128x1xi1>, vector<128x1xf32>
    %select_n3A_231 = arith.select %ge3A_229, %select_n3A_215, %mul3A_219 : vector<128x1xi1>, vector<128x1xf32>
    %add3A_232 = arith.addf %select_n3A_231, %select_n3A_230 : vector<128x1xf32>
    %mul3A_233 = arith.constant 5.000000e-01 : f32
    %mul3A_234 = vector.broadcast %mul3A_233 : f32 to vector<128x1xf32>
    %mul3A_235 = arith.mulf %mul3A_234, %add3A_232 : vector<128x1xf32>
    %le3A_236 = vector.broadcast %mul3A_235 : vector<128x1xf32> to vector<128x4096xf32>
    %le3A_237 = arith.cmpf ole, %select_n3A_53, %le3A_236 : vector<128x4096xf32>
    %convert_element_type3A_238 = arith.extui %le3A_237 : vector<128x4096xi1> to vector<128x4096xi32>
    %convert_element_type3A_239 = arith.sitofp %convert_element_type3A_238 : vector<128x4096xi32> to vector<128x4096xf32>
    %reduce_sum3A_240 = arith.constant dense<0.000000e+00> : vector<128xf32>
    %reduce_sum3A_241 = vector.multi_reduction <add>, %convert_element_type3A_239, %reduce_sum3A_240 [1] : vector<128x4096xf32> to vector<128xf32>
    %broadcast_in_dim3A_242 = vector.shape_cast %reduce_sum3A_241 : vector<128xf32> to vector<128x1xf32>
    %ge3A_243 = arith.constant 2.047000e+03 : f32
    %ge3A_244 = vector.broadcast %ge3A_243 : f32 to vector<128x1xf32>
    %ge3A_245 = arith.cmpf oge, %broadcast_in_dim3A_242, %ge3A_244 : vector<128x1xf32>
    %select_n3A_246 = arith.select %ge3A_245, %mul3A_235, %select_n3A_230 : vector<128x1xi1>, vector<128x1xf32>
    %select_n3A_247 = arith.select %ge3A_245, %select_n3A_231, %mul3A_235 : vector<128x1xi1>, vector<128x1xf32>
    %add3A_248 = arith.addf %select_n3A_247, %select_n3A_246 : vector<128x1xf32>
    %mul3A_249 = arith.constant 5.000000e-01 : f32
    %mul3A_250 = vector.broadcast %mul3A_249 : f32 to vector<128x1xf32>
    %mul3A_251 = arith.mulf %mul3A_250, %add3A_248 : vector<128x1xf32>
    %le3A_252 = vector.broadcast %mul3A_251 : vector<128x1xf32> to vector<128x4096xf32>
    %le3A_253 = arith.cmpf ole, %select_n3A_53, %le3A_252 : vector<128x4096xf32>
    %convert_element_type3A_254 = arith.extui %le3A_253 : vector<128x4096xi1> to vector<128x4096xi32>
    %convert_element_type3A_255 = arith.sitofp %convert_element_type3A_254 : vector<128x4096xi32> to vector<128x4096xf32>
    %reduce_sum3A_256 = arith.constant dense<0.000000e+00> : vector<128xf32>
    %reduce_sum3A_257 = vector.multi_reduction <add>, %convert_element_type3A_255, %reduce_sum3A_256 [1] : vector<128x4096xf32> to vector<128xf32>
    %broadcast_in_dim3A_258 = vector.shape_cast %reduce_sum3A_257 : vector<128xf32> to vector<128x1xf32>
    %ge3A_259 = arith.constant 2.047000e+03 : f32
    %ge3A_260 = vector.broadcast %ge3A_259 : f32 to vector<128x1xf32>
    %ge3A_261 = arith.cmpf oge, %broadcast_in_dim3A_258, %ge3A_260 : vector<128x1xf32>
    %select_n3A_262 = arith.select %ge3A_261, %mul3A_251, %select_n3A_246 : vector<128x1xi1>, vector<128x1xf32>
    %select_n3A_263 = arith.select %ge3A_261, %select_n3A_247, %mul3A_251 : vector<128x1xi1>, vector<128x1xf32>
    %add3A_264 = arith.addf %select_n3A_263, %select_n3A_262 : vector<128x1xf32>
    %mul3A_265 = arith.constant 5.000000e-01 : f32
    %mul3A_266 = vector.broadcast %mul3A_265 : f32 to vector<128x1xf32>
    %mul3A_267 = arith.mulf %mul3A_266, %add3A_264 : vector<128x1xf32>
    %sub3A_268 = vector.broadcast %mul3A_267 : vector<128x1xf32> to vector<128x4096xf32>
    %sub3A_269 = arith.subf %select_n3A, %sub3A_268 : vector<128x4096xf32>
    %abs3A = math.absf %sub3A_269 : vector<128x4096xf32>
    %jit3A_270 = arith.constant 3.000000e+00 : f32
    %broadcast_in_dim3A_271 = vector.broadcast %jit3A_270 : f32 to vector<128x4096xf32>
    %select_n3A_272 = arith.select %and3A, %abs3A, %broadcast_in_dim3A_271 : vector<128x4096xi1>, vector<128x4096xf32>
    %broadcast_in_dim3A_273 = arith.constant 0.000000e+00 : f32
    %broadcast_in_dim3A_274 = vector.broadcast %broadcast_in_dim3A_273 : f32 to vector<128x1xf32>
    %broadcast_in_dim3A_275 = arith.constant 2.125000e+00 : f32
    %broadcast_in_dim3A_276 = vector.broadcast %broadcast_in_dim3A_275 : f32 to vector<128x1xf32>
    %add3A_277 = arith.addf %broadcast_in_dim3A_274, %broadcast_in_dim3A_276 : vector<128x1xf32>
    %mul3A_278 = arith.constant 5.000000e-01 : f32
    %mul3A_279 = vector.broadcast %mul3A_278 : f32 to vector<128x1xf32>
    %mul3A_280 = arith.mulf %mul3A_279, %add3A_277 : vector<128x1xf32>
    %le3A_281 = vector.broadcast %mul3A_280 : vector<128x1xf32> to vector<128x4096xf32>
    %le3A_282 = arith.cmpf ole, %select_n3A_272, %le3A_281 : vector<128x4096xf32>
    %convert_element_type3A_283 = arith.extui %le3A_282 : vector<128x4096xi1> to vector<128x4096xi32>
    %convert_element_type3A_284 = arith.sitofp %convert_element_type3A_283 : vector<128x4096xi32> to vector<128x4096xf32>
    %reduce_sum3A_285 = arith.constant dense<0.000000e+00> : vector<128xf32>
    %reduce_sum3A_286 = vector.multi_reduction <add>, %convert_element_type3A_284, %reduce_sum3A_285 [1] : vector<128x4096xf32> to vector<128xf32>
    %broadcast_in_dim3A_287 = vector.shape_cast %reduce_sum3A_286 : vector<128xf32> to vector<128x1xf32>
    %ge3A_288 = arith.constant 2.047000e+03 : f32
    %ge3A_289 = vector.broadcast %ge3A_288 : f32 to vector<128x1xf32>
    %ge3A_290 = arith.cmpf oge, %broadcast_in_dim3A_287, %ge3A_289 : vector<128x1xf32>
    %select_n3A_291 = arith.select %ge3A_290, %mul3A_280, %broadcast_in_dim3A_276 : vector<128x1xi1>, vector<128x1xf32>
    %select_n3A_292 = arith.select %ge3A_290, %broadcast_in_dim3A_274, %mul3A_280 : vector<128x1xi1>, vector<128x1xf32>
    %add3A_293 = arith.addf %select_n3A_292, %select_n3A_291 : vector<128x1xf32>
    %mul3A_294 = arith.constant 5.000000e-01 : f32
    %mul3A_295 = vector.broadcast %mul3A_294 : f32 to vector<128x1xf32>
    %mul3A_296 = arith.mulf %mul3A_295, %add3A_293 : vector<128x1xf32>
    %le3A_297 = vector.broadcast %mul3A_296 : vector<128x1xf32> to vector<128x4096xf32>
    %le3A_298 = arith.cmpf ole, %select_n3A_272, %le3A_297 : vector<128x4096xf32>
    %convert_element_type3A_299 = arith.extui %le3A_298 : vector<128x4096xi1> to vector<128x4096xi32>
    %convert_element_type3A_300 = arith.sitofp %convert_element_type3A_299 : vector<128x4096xi32> to vector<128x4096xf32>
    %reduce_sum3A_301 = arith.constant dense<0.000000e+00> : vector<128xf32>
    %reduce_sum3A_302 = vector.multi_reduction <add>, %convert_element_type3A_300, %reduce_sum3A_301 [1] : vector<128x4096xf32> to vector<128xf32>
    %broadcast_in_dim3A_303 = vector.shape_cast %reduce_sum3A_302 : vector<128xf32> to vector<128x1xf32>
    %ge3A_304 = arith.constant 2.047000e+03 : f32
    %ge3A_305 = vector.broadcast %ge3A_304 : f32 to vector<128x1xf32>
    %ge3A_306 = arith.cmpf oge, %broadcast_in_dim3A_303, %ge3A_305 : vector<128x1xf32>
    %select_n3A_307 = arith.select %ge3A_306, %mul3A_296, %select_n3A_291 : vector<128x1xi1>, vector<128x1xf32>
    %select_n3A_308 = arith.select %ge3A_306, %select_n3A_292, %mul3A_296 : vector<128x1xi1>, vector<128x1xf32>
    %add3A_309 = arith.addf %select_n3A_308, %select_n3A_307 : vector<128x1xf32>
    %mul3A_310 = arith.constant 5.000000e-01 : f32
    %mul3A_311 = vector.broadcast %mul3A_310 : f32 to vector<128x1xf32>
    %mul3A_312 = arith.mulf %mul3A_311, %add3A_309 : vector<128x1xf32>
    %le3A_313 = vector.broadcast %mul3A_312 : vector<128x1xf32> to vector<128x4096xf32>
    %le3A_314 = arith.cmpf ole, %select_n3A_272, %le3A_313 : vector<128x4096xf32>
    %convert_element_type3A_315 = arith.extui %le3A_314 : vector<128x4096xi1> to vector<128x4096xi32>
    %convert_element_type3A_316 = arith.sitofp %convert_element_type3A_315 : vector<128x4096xi32> to vector<128x4096xf32>
    %reduce_sum3A_317 = arith.constant dense<0.000000e+00> : vector<128xf32>
    %reduce_sum3A_318 = vector.multi_reduction <add>, %convert_element_type3A_316, %reduce_sum3A_317 [1] : vector<128x4096xf32> to vector<128xf32>
    %broadcast_in_dim3A_319 = vector.shape_cast %reduce_sum3A_318 : vector<128xf32> to vector<128x1xf32>
    %ge3A_320 = arith.constant 2.047000e+03 : f32
    %ge3A_321 = vector.broadcast %ge3A_320 : f32 to vector<128x1xf32>
    %ge3A_322 = arith.cmpf oge, %broadcast_in_dim3A_319, %ge3A_321 : vector<128x1xf32>
    %select_n3A_323 = arith.select %ge3A_322, %mul3A_312, %select_n3A_307 : vector<128x1xi1>, vector<128x1xf32>
    %select_n3A_324 = arith.select %ge3A_322, %select_n3A_308, %mul3A_312 : vector<128x1xi1>, vector<128x1xf32>
    %add3A_325 = arith.addf %select_n3A_324, %select_n3A_323 : vector<128x1xf32>
    %mul3A_326 = arith.constant 5.000000e-01 : f32
    %mul3A_327 = vector.broadcast %mul3A_326 : f32 to vector<128x1xf32>
    %mul3A_328 = arith.mulf %mul3A_327, %add3A_325 : vector<128x1xf32>
    %le3A_329 = vector.broadcast %mul3A_328 : vector<128x1xf32> to vector<128x4096xf32>
    %le3A_330 = arith.cmpf ole, %select_n3A_272, %le3A_329 : vector<128x4096xf32>
    %convert_element_type3A_331 = arith.extui %le3A_330 : vector<128x4096xi1> to vector<128x4096xi32>
    %convert_element_type3A_332 = arith.sitofp %convert_element_type3A_331 : vector<128x4096xi32> to vector<128x4096xf32>
    %reduce_sum3A_333 = arith.constant dense<0.000000e+00> : vector<128xf32>
    %reduce_sum3A_334 = vector.multi_reduction <add>, %convert_element_type3A_332, %reduce_sum3A_333 [1] : vector<128x4096xf32> to vector<128xf32>
    %broadcast_in_dim3A_335 = vector.shape_cast %reduce_sum3A_334 : vector<128xf32> to vector<128x1xf32>
    %ge3A_336 = arith.constant 2.047000e+03 : f32
    %ge3A_337 = vector.broadcast %ge3A_336 : f32 to vector<128x1xf32>
    %ge3A_338 = arith.cmpf oge, %broadcast_in_dim3A_335, %ge3A_337 : vector<128x1xf32>
    %select_n3A_339 = arith.select %ge3A_338, %mul3A_328, %select_n3A_323 : vector<128x1xi1>, vector<128x1xf32>
    %select_n3A_340 = arith.select %ge3A_338, %select_n3A_324, %mul3A_328 : vector<128x1xi1>, vector<128x1xf32>
    %add3A_341 = arith.addf %select_n3A_340, %select_n3A_339 : vector<128x1xf32>
    %mul3A_342 = arith.constant 5.000000e-01 : f32
    %mul3A_343 = vector.broadcast %mul3A_342 : f32 to vector<128x1xf32>
    %mul3A_344 = arith.mulf %mul3A_343, %add3A_341 : vector<128x1xf32>
    %le3A_345 = vector.broadcast %mul3A_344 : vector<128x1xf32> to vector<128x4096xf32>
    %le3A_346 = arith.cmpf ole, %select_n3A_272, %le3A_345 : vector<128x4096xf32>
    %convert_element_type3A_347 = arith.extui %le3A_346 : vector<128x4096xi1> to vector<128x4096xi32>
    %convert_element_type3A_348 = arith.sitofp %convert_element_type3A_347 : vector<128x4096xi32> to vector<128x4096xf32>
    %reduce_sum3A_349 = arith.constant dense<0.000000e+00> : vector<128xf32>
    %reduce_sum3A_350 = vector.multi_reduction <add>, %convert_element_type3A_348, %reduce_sum3A_349 [1] : vector<128x4096xf32> to vector<128xf32>
    %broadcast_in_dim3A_351 = vector.shape_cast %reduce_sum3A_350 : vector<128xf32> to vector<128x1xf32>
    %ge3A_352 = arith.constant 2.047000e+03 : f32
    %ge3A_353 = vector.broadcast %ge3A_352 : f32 to vector<128x1xf32>
    %ge3A_354 = arith.cmpf oge, %broadcast_in_dim3A_351, %ge3A_353 : vector<128x1xf32>
    %select_n3A_355 = arith.select %ge3A_354, %mul3A_344, %select_n3A_339 : vector<128x1xi1>, vector<128x1xf32>
    %select_n3A_356 = arith.select %ge3A_354, %select_n3A_340, %mul3A_344 : vector<128x1xi1>, vector<128x1xf32>
    %add3A_357 = arith.addf %select_n3A_356, %select_n3A_355 : vector<128x1xf32>
    %mul3A_358 = arith.constant 5.000000e-01 : f32
    %mul3A_359 = vector.broadcast %mul3A_358 : f32 to vector<128x1xf32>
    %mul3A_360 = arith.mulf %mul3A_359, %add3A_357 : vector<128x1xf32>
    %le3A_361 = vector.broadcast %mul3A_360 : vector<128x1xf32> to vector<128x4096xf32>
    %le3A_362 = arith.cmpf ole, %select_n3A_272, %le3A_361 : vector<128x4096xf32>
    %convert_element_type3A_363 = arith.extui %le3A_362 : vector<128x4096xi1> to vector<128x4096xi32>
    %convert_element_type3A_364 = arith.sitofp %convert_element_type3A_363 : vector<128x4096xi32> to vector<128x4096xf32>
    %reduce_sum3A_365 = arith.constant dense<0.000000e+00> : vector<128xf32>
    %reduce_sum3A_366 = vector.multi_reduction <add>, %convert_element_type3A_364, %reduce_sum3A_365 [1] : vector<128x4096xf32> to vector<128xf32>
    %broadcast_in_dim3A_367 = vector.shape_cast %reduce_sum3A_366 : vector<128xf32> to vector<128x1xf32>
    %ge3A_368 = arith.constant 2.047000e+03 : f32
    %ge3A_369 = vector.broadcast %ge3A_368 : f32 to vector<128x1xf32>
    %ge3A_370 = arith.cmpf oge, %broadcast_in_dim3A_367, %ge3A_369 : vector<128x1xf32>
    %select_n3A_371 = arith.select %ge3A_370, %mul3A_360, %select_n3A_355 : vector<128x1xi1>, vector<128x1xf32>
    %select_n3A_372 = arith.select %ge3A_370, %select_n3A_356, %mul3A_360 : vector<128x1xi1>, vector<128x1xf32>
    %add3A_373 = arith.addf %select_n3A_372, %select_n3A_371 : vector<128x1xf32>
    %mul3A_374 = arith.constant 5.000000e-01 : f32
    %mul3A_375 = vector.broadcast %mul3A_374 : f32 to vector<128x1xf32>
    %mul3A_376 = arith.mulf %mul3A_375, %add3A_373 : vector<128x1xf32>
    %le3A_377 = vector.broadcast %mul3A_376 : vector<128x1xf32> to vector<128x4096xf32>
    %le3A_378 = arith.cmpf ole, %select_n3A_272, %le3A_377 : vector<128x4096xf32>
    %convert_element_type3A_379 = arith.extui %le3A_378 : vector<128x4096xi1> to vector<128x4096xi32>
    %convert_element_type3A_380 = arith.sitofp %convert_element_type3A_379 : vector<128x4096xi32> to vector<128x4096xf32>
    %reduce_sum3A_381 = arith.constant dense<0.000000e+00> : vector<128xf32>
    %reduce_sum3A_382 = vector.multi_reduction <add>, %convert_element_type3A_380, %reduce_sum3A_381 [1] : vector<128x4096xf32> to vector<128xf32>
    %broadcast_in_dim3A_383 = vector.shape_cast %reduce_sum3A_382 : vector<128xf32> to vector<128x1xf32>
    %ge3A_384 = arith.constant 2.047000e+03 : f32
    %ge3A_385 = vector.broadcast %ge3A_384 : f32 to vector<128x1xf32>
    %ge3A_386 = arith.cmpf oge, %broadcast_in_dim3A_383, %ge3A_385 : vector<128x1xf32>
    %select_n3A_387 = arith.select %ge3A_386, %mul3A_376, %select_n3A_371 : vector<128x1xi1>, vector<128x1xf32>
    %select_n3A_388 = arith.select %ge3A_386, %select_n3A_372, %mul3A_376 : vector<128x1xi1>, vector<128x1xf32>
    %add3A_389 = arith.addf %select_n3A_388, %select_n3A_387 : vector<128x1xf32>
    %mul3A_390 = arith.constant 5.000000e-01 : f32
    %mul3A_391 = vector.broadcast %mul3A_390 : f32 to vector<128x1xf32>
    %mul3A_392 = arith.mulf %mul3A_391, %add3A_389 : vector<128x1xf32>
    %le3A_393 = vector.broadcast %mul3A_392 : vector<128x1xf32> to vector<128x4096xf32>
    %le3A_394 = arith.cmpf ole, %select_n3A_272, %le3A_393 : vector<128x4096xf32>
    %convert_element_type3A_395 = arith.extui %le3A_394 : vector<128x4096xi1> to vector<128x4096xi32>
    %convert_element_type3A_396 = arith.sitofp %convert_element_type3A_395 : vector<128x4096xi32> to vector<128x4096xf32>
    %reduce_sum3A_397 = arith.constant dense<0.000000e+00> : vector<128xf32>
    %reduce_sum3A_398 = vector.multi_reduction <add>, %convert_element_type3A_396, %reduce_sum3A_397 [1] : vector<128x4096xf32> to vector<128xf32>
    %broadcast_in_dim3A_399 = vector.shape_cast %reduce_sum3A_398 : vector<128xf32> to vector<128x1xf32>
    %ge3A_400 = arith.constant 2.047000e+03 : f32
    %ge3A_401 = vector.broadcast %ge3A_400 : f32 to vector<128x1xf32>
    %ge3A_402 = arith.cmpf oge, %broadcast_in_dim3A_399, %ge3A_401 : vector<128x1xf32>
    %select_n3A_403 = arith.select %ge3A_402, %mul3A_392, %select_n3A_387 : vector<128x1xi1>, vector<128x1xf32>
    %select_n3A_404 = arith.select %ge3A_402, %select_n3A_388, %mul3A_392 : vector<128x1xi1>, vector<128x1xf32>
    %add3A_405 = arith.addf %select_n3A_404, %select_n3A_403 : vector<128x1xf32>
    %mul3A_406 = arith.constant 5.000000e-01 : f32
    %mul3A_407 = vector.broadcast %mul3A_406 : f32 to vector<128x1xf32>
    %mul3A_408 = arith.mulf %mul3A_407, %add3A_405 : vector<128x1xf32>
    %le3A_409 = vector.broadcast %mul3A_408 : vector<128x1xf32> to vector<128x4096xf32>
    %le3A_410 = arith.cmpf ole, %select_n3A_272, %le3A_409 : vector<128x4096xf32>
    %convert_element_type3A_411 = arith.extui %le3A_410 : vector<128x4096xi1> to vector<128x4096xi32>
    %convert_element_type3A_412 = arith.sitofp %convert_element_type3A_411 : vector<128x4096xi32> to vector<128x4096xf32>
    %reduce_sum3A_413 = arith.constant dense<0.000000e+00> : vector<128xf32>
    %reduce_sum3A_414 = vector.multi_reduction <add>, %convert_element_type3A_412, %reduce_sum3A_413 [1] : vector<128x4096xf32> to vector<128xf32>
    %broadcast_in_dim3A_415 = vector.shape_cast %reduce_sum3A_414 : vector<128xf32> to vector<128x1xf32>
    %ge3A_416 = arith.constant 2.047000e+03 : f32
    %ge3A_417 = vector.broadcast %ge3A_416 : f32 to vector<128x1xf32>
    %ge3A_418 = arith.cmpf oge, %broadcast_in_dim3A_415, %ge3A_417 : vector<128x1xf32>
    %select_n3A_419 = arith.select %ge3A_418, %mul3A_408, %select_n3A_403 : vector<128x1xi1>, vector<128x1xf32>
    %select_n3A_420 = arith.select %ge3A_418, %select_n3A_404, %mul3A_408 : vector<128x1xi1>, vector<128x1xf32>
    %add3A_421 = arith.addf %select_n3A_420, %select_n3A_419 : vector<128x1xf32>
    %mul3A_422 = arith.constant 5.000000e-01 : f32
    %mul3A_423 = vector.broadcast %mul3A_422 : f32 to vector<128x1xf32>
    %mul3A_424 = arith.mulf %mul3A_423, %add3A_421 : vector<128x1xf32>
    %le3A_425 = vector.broadcast %mul3A_424 : vector<128x1xf32> to vector<128x4096xf32>
    %le3A_426 = arith.cmpf ole, %select_n3A_272, %le3A_425 : vector<128x4096xf32>
    %convert_element_type3A_427 = arith.extui %le3A_426 : vector<128x4096xi1> to vector<128x4096xi32>
    %convert_element_type3A_428 = arith.sitofp %convert_element_type3A_427 : vector<128x4096xi32> to vector<128x4096xf32>
    %reduce_sum3A_429 = arith.constant dense<0.000000e+00> : vector<128xf32>
    %reduce_sum3A_430 = vector.multi_reduction <add>, %convert_element_type3A_428, %reduce_sum3A_429 [1] : vector<128x4096xf32> to vector<128xf32>
    %broadcast_in_dim3A_431 = vector.shape_cast %reduce_sum3A_430 : vector<128xf32> to vector<128x1xf32>
    %ge3A_432 = arith.constant 2.047000e+03 : f32
    %ge3A_433 = vector.broadcast %ge3A_432 : f32 to vector<128x1xf32>
    %ge3A_434 = arith.cmpf oge, %broadcast_in_dim3A_431, %ge3A_433 : vector<128x1xf32>
    %select_n3A_435 = arith.select %ge3A_434, %mul3A_424, %select_n3A_419 : vector<128x1xi1>, vector<128x1xf32>
    %select_n3A_436 = arith.select %ge3A_434, %select_n3A_420, %mul3A_424 : vector<128x1xi1>, vector<128x1xf32>
    %add3A_437 = arith.addf %select_n3A_436, %select_n3A_435 : vector<128x1xf32>
    %mul3A_438 = arith.constant 5.000000e-01 : f32
    %mul3A_439 = vector.broadcast %mul3A_438 : f32 to vector<128x1xf32>
    %mul3A_440 = arith.mulf %mul3A_439, %add3A_437 : vector<128x1xf32>
    %le3A_441 = vector.broadcast %mul3A_440 : vector<128x1xf32> to vector<128x4096xf32>
    %le3A_442 = arith.cmpf ole, %select_n3A_272, %le3A_441 : vector<128x4096xf32>
    %convert_element_type3A_443 = arith.extui %le3A_442 : vector<128x4096xi1> to vector<128x4096xi32>
    %convert_element_type3A_444 = arith.sitofp %convert_element_type3A_443 : vector<128x4096xi32> to vector<128x4096xf32>
    %reduce_sum3A_445 = arith.constant dense<0.000000e+00> : vector<128xf32>
    %reduce_sum3A_446 = vector.multi_reduction <add>, %convert_element_type3A_444, %reduce_sum3A_445 [1] : vector<128x4096xf32> to vector<128xf32>
    %broadcast_in_dim3A_447 = vector.shape_cast %reduce_sum3A_446 : vector<128xf32> to vector<128x1xf32>
    %ge3A_448 = arith.constant 2.047000e+03 : f32
    %ge3A_449 = vector.broadcast %ge3A_448 : f32 to vector<128x1xf32>
    %ge3A_450 = arith.cmpf oge, %broadcast_in_dim3A_447, %ge3A_449 : vector<128x1xf32>
    %select_n3A_451 = arith.select %ge3A_450, %mul3A_440, %select_n3A_435 : vector<128x1xi1>, vector<128x1xf32>
    %select_n3A_452 = arith.select %ge3A_450, %select_n3A_436, %mul3A_440 : vector<128x1xi1>, vector<128x1xf32>
    %add3A_453 = arith.addf %select_n3A_452, %select_n3A_451 : vector<128x1xf32>
    %mul3A_454 = arith.constant 5.000000e-01 : f32
    %mul3A_455 = vector.broadcast %mul3A_454 : f32 to vector<128x1xf32>
    %mul3A_456 = arith.mulf %mul3A_455, %add3A_453 : vector<128x1xf32>
    %le3A_457 = vector.broadcast %mul3A_456 : vector<128x1xf32> to vector<128x4096xf32>
    %le3A_458 = arith.cmpf ole, %select_n3A_272, %le3A_457 : vector<128x4096xf32>
    %convert_element_type3A_459 = arith.extui %le3A_458 : vector<128x4096xi1> to vector<128x4096xi32>
    %convert_element_type3A_460 = arith.sitofp %convert_element_type3A_459 : vector<128x4096xi32> to vector<128x4096xf32>
    %reduce_sum3A_461 = arith.constant dense<0.000000e+00> : vector<128xf32>
    %reduce_sum3A_462 = vector.multi_reduction <add>, %convert_element_type3A_460, %reduce_sum3A_461 [1] : vector<128x4096xf32> to vector<128xf32>
    %broadcast_in_dim3A_463 = vector.shape_cast %reduce_sum3A_462 : vector<128xf32> to vector<128x1xf32>
    %ge3A_464 = arith.constant 2.047000e+03 : f32
    %ge3A_465 = vector.broadcast %ge3A_464 : f32 to vector<128x1xf32>
    %ge3A_466 = arith.cmpf oge, %broadcast_in_dim3A_463, %ge3A_465 : vector<128x1xf32>
    %select_n3A_467 = arith.select %ge3A_466, %mul3A_456, %select_n3A_451 : vector<128x1xi1>, vector<128x1xf32>
    %select_n3A_468 = arith.select %ge3A_466, %select_n3A_452, %mul3A_456 : vector<128x1xi1>, vector<128x1xf32>
    %add3A_469 = arith.addf %select_n3A_468, %select_n3A_467 : vector<128x1xf32>
    %mul3A_470 = arith.constant 5.000000e-01 : f32
    %mul3A_471 = vector.broadcast %mul3A_470 : f32 to vector<128x1xf32>
    %mul3A_472 = arith.mulf %mul3A_471, %add3A_469 : vector<128x1xf32>
    %le3A_473 = vector.broadcast %mul3A_472 : vector<128x1xf32> to vector<128x4096xf32>
    %le3A_474 = arith.cmpf ole, %select_n3A_272, %le3A_473 : vector<128x4096xf32>
    %convert_element_type3A_475 = arith.extui %le3A_474 : vector<128x4096xi1> to vector<128x4096xi32>
    %convert_element_type3A_476 = arith.sitofp %convert_element_type3A_475 : vector<128x4096xi32> to vector<128x4096xf32>
    %reduce_sum3A_477 = arith.constant dense<0.000000e+00> : vector<128xf32>
    %reduce_sum3A_478 = vector.multi_reduction <add>, %convert_element_type3A_476, %reduce_sum3A_477 [1] : vector<128x4096xf32> to vector<128xf32>
    %broadcast_in_dim3A_479 = vector.shape_cast %reduce_sum3A_478 : vector<128xf32> to vector<128x1xf32>
    %ge3A_480 = arith.constant 2.047000e+03 : f32
    %ge3A_481 = vector.broadcast %ge3A_480 : f32 to vector<128x1xf32>
    %ge3A_482 = arith.cmpf oge, %broadcast_in_dim3A_479, %ge3A_481 : vector<128x1xf32>
    %select_n3A_483 = arith.select %ge3A_482, %mul3A_472, %select_n3A_467 : vector<128x1xi1>, vector<128x1xf32>
    %select_n3A_484 = arith.select %ge3A_482, %select_n3A_468, %mul3A_472 : vector<128x1xi1>, vector<128x1xf32>
    %add3A_485 = arith.addf %select_n3A_484, %select_n3A_483 : vector<128x1xf32>
    %mul3A_486 = arith.constant 5.000000e-01 : f32
    %mul3A_487 = vector.broadcast %mul3A_486 : f32 to vector<128x1xf32>
    %mul3A_488 = arith.mulf %mul3A_487, %add3A_485 : vector<128x1xf32>
    %get3A_489 = arith.constant 0 : index
    %get3A_490 = arith.constant 0 : index
    %get3A_491 = memref.load %arg1[%get3A_489, %get3A_490] : memref<1x1xf32, #tpu.memory_space<smem>>
    %get3A_492 = arith.constant 0 : index
    %get3A_493 = arith.constant 0 : index
    %get3A_494 = memref.load %arg2[%get3A_492, %get3A_493] : memref<1x1xf32, #tpu.memory_space<smem>>
    %mul3A_495 = vector.broadcast %get3A_494 : f32 to vector<128x1xf32>
    %mul3A_496 = arith.mulf %mul3A_495, %mul3A_267 : vector<128x1xf32>
    %add3A_497 = arith.addf %mul3A_488, %mul3A_496 : vector<128x1xf32>
    %add3A_498 = arith.constant 9.99999997E-7 : f32
    %add3A_499 = vector.broadcast %add3A_498 : f32 to vector<128x1xf32>
    %add3A_500 = arith.addf %add3A_497, %add3A_499 : vector<128x1xf32>
    %max3A_501 = arith.constant 9.99999997E-7 : f32
    %max3A_502 = vector.broadcast %max3A_501 : f32 to vector<128x1xf32>
    %max3A_503 = arith.maximumf %add3A_500, %max3A_502 : vector<128x1xf32>
    %mul3A_504 = vector.broadcast %get3A_491 : f32 to vector<128x1xf32>
    %mul3A_505 = arith.mulf %mul3A_504, %max3A_503 : vector<128x1xf32>
    %max3A_506 = arith.constant 9.99999997E-7 : f32
    %max3A_507 = vector.broadcast %max3A_506 : f32 to vector<128x1xf32>
    %max3A_508 = arith.maximumf %mul3A_505, %max3A_507 : vector<128x1xf32>
    %neg3A = arith.constant 0.000000e+00 : f32
    %neg3A_509 = vector.broadcast %neg3A : f32 to vector<128x4096xf32>
    %neg3A_510 = arith.subf %neg3A_509, %select_n3A : vector<128x4096xf32>
    %div3A_511 = vector.broadcast %max3A_508 : vector<128x1xf32> to vector<128x4096xf32>
    %div3A_512 = arith.divf %neg3A_510, %div3A_511 : vector<128x4096xf32>
    %exp3A = math.exp %div3A_512 : vector<128x4096xf32>
    %mul3A_513 = arith.constant 0.899999976 : f32
    %mul3A_514 = vector.broadcast %mul3A_513 : f32 to vector<128x4096xf32>
    %mul3A_515 = arith.mulf %mul3A_514, %exp3A : vector<128x4096xf32>
    %add3A_516 = arith.constant 1.000000e-01 : f32
    %add3A_517 = vector.broadcast %add3A_516 : f32 to vector<128x4096xf32>
    %add3A_518 = arith.addf %add3A_517, %mul3A_515 : vector<128x4096xf32>
    %jit3A_519 = arith.constant 1.000000e+00 : f32
    %broadcast_in_dim3A_520 = vector.broadcast %jit3A_519 : f32 to vector<128x4096xf32>
    %select_n3A_521 = arith.select %and3A, %add3A_518, %broadcast_in_dim3A_520 : vector<128x4096xi1>, vector<128x4096xf32>
    %swap3A_522 = arith.constant 0 : index
    %swap3A_523 = arith.constant 0 : index
    %swap3A_524 = vector.load %arg8[%swap3A_522, %swap3A_523] : memref<128x1xf32, #tpu.memory_space<vmem>>, vector<128x1xf32>
    tpu.vector_store %arg8[%swap3A_522, %swap3A_523], %mul3A_267 {strides = array<i32>} : memref<128x1xf32, #tpu.memory_space<vmem>>, vector<128x1xf32>,
    %swap3A_525 = arith.constant 0 : index
    %swap3A_526 = arith.constant 0 : index
    %swap3A_527 = vector.load %arg9[%swap3A_525, %swap3A_526] : memref<128x1xf32, #tpu.memory_space<vmem>>, vector<128x1xf32>
    tpu.vector_store %arg9[%swap3A_525, %swap3A_526], %mul3A_488 {strides = array<i32>} : memref<128x1xf32, #tpu.memory_space<vmem>>, vector<128x1xf32>,
    %swap3A_528 = arith.constant 0 : index
    %swap3A_529 = arith.constant 0 : index
    %swap3A_530 = vector.load %arg7[%swap3A_528, %swap3A_529] : memref<128x1xf32, #tpu.memory_space<vmem>>, vector<128x1xf32>
    tpu.vector_store %arg7[%swap3A_528, %swap3A_529], %max3A_503 {strides = array<i32>} : memref<128x1xf32, #tpu.memory_space<vmem>>, vector<128x1xf32>,
    %swap3A_531 = arith.constant 0 : index
    %swap3A_532 = arith.constant 0 : index
    %swap3A_533 = vector.load %arg6[%swap3A_531, %swap3A_532] : memref<128x4096xf32, #tpu.memory_space<vmem>>, vector<128x4096xf32>
    tpu.vector_store %arg6[%swap3A_531, %swap3A_532], %select_n3A_521 {strides = array<i32>} : memref<128x4096xf32, #tpu.memory_space<vmem>>, vector<128x4096xf32>,
    %mul3A_534 = arith.mulf %select_n3A_521, %select_n3A : vector<128x4096xf32>
    %reduce_sum3A_535 = vector.shape_cast %mul3A_534 : vector<128x4096xf32> to vector<1x128x4096xf32>
    %reduce_sum3A_536 = arith.constant dense<0.000000e+00> : vector<1xf32>
    %reduce_sum3A_537 = vector.multi_reduction <add>, %reduce_sum3A_535, %reduce_sum3A_536 [1, 2] : vector<1x128x4096xf32> to vector<1xf32>
    %reduce_sum3A_538 = vector.shape_cast %reduce_sum3A_537 : vector<1xf32> to vector<1x1x1xf32>
    %reduce_sum3A_539 = vector.extract %reduce_sum3A_538[0, 0, 0] : f32 from vector<1x1x1xf32>
    %eq3A = arith.constant 0 : i32
    %eq3A_540 = arith.cmpi eq, %arg0, %eq3A : i32
    %convert_element_type3A_541 = arith.extui %eq3A_540 : i1 to i32
    %cond3A = arith.constant 0 : i32
    %cond3A_542 = arith.cmpi ne, %convert_element_type3A_541, %cond3A : i32
    scf.if %cond3A_542 {
      %swap3A_550 = arith.constant 0.000000e+00 : f32
      %swap3A_551 = arith.constant 0 : index
      %swap3A_552 = arith.constant 0 : index
      %swap3A_553 = memref.load %arg10[%swap3A_551, %swap3A_552] : memref<1x1xf32, #tpu.memory_space<smem>>
      memref.store %swap3A_550, %arg10[%swap3A_551, %swap3A_552] : memref<1x1xf32, #tpu.memory_space<smem>>
    } else {
    }
    %get3A_543 = arith.constant 0 : index
    %get3A_544 = arith.constant 0 : index
    %get3A_545 = memref.load %arg10[%get3A_543, %get3A_544] : memref<1x1xf32, #tpu.memory_space<smem>>
    %add3A_546 = arith.addf %get3A_545, %reduce_sum3A_539 : f32
    %swap3A_547 = arith.constant 0 : index
    %swap3A_548 = arith.constant 0 : index
    %swap3A_549 = memref.load %arg10[%swap3A_547, %swap3A_548] : memref<1x1xf32, #tpu.memory_space<smem>>
    memref.store %add3A_546, %arg10[%swap3A_547, %swap3A_548] : memref<1x1xf32, #tpu.memory_space<smem>>
    return
  }
  func.func @transform_0(%arg0: i32) -> (i32, i32) {
    %c0_i32 = arith.constant 0 : i32
    %c0_i32_0 = arith.constant 0 : i32
    %c0_i32_1 = arith.constant 0 : i32
    return %c0_i32, %c0_i32_0 : i32, i32
  }
  func.func @transform_1(%arg0: i32) -> (i32, i32) {
    %c0_i32 = arith.constant 0 : i32
    %c0_i32_0 = arith.constant 0 : i32
    %c0_i32_1 = arith.constant 0 : i32
    return %c0_i32, %c0_i32_0 : i32, i32
  }
  func.func @transform_2(%arg0: i32) -> (i32, i32) {
    %c0_i32 = arith.constant 0 : i32
    %c0_i32_0 = arith.constant 0 : i32
    return %arg0, %c0_i32 : i32, i32
  }
  func.func @transform_3(%arg0: i32) -> (i32, i32) {
    %c0_i32 = arith.constant 0 : i32
    %c0_i32_0 = arith.constant 0 : i32
    return %arg0, %c0_i32 : i32, i32
  }
  func.func @transform_4(%arg0: i32) -> (i32, i32) {
    %c0_i32 = arith.constant 0 : i32
    %c0_i32_0 = arith.constant 0 : i32
    return %arg0, %c0_i32 : i32, i32
  }
  func.func @transform_5(%arg0: i32) -> (i32, i32) {
    %c0_i32 = arith.constant 0 : i32
    %c0_i32_0 = arith.constant 0 : i32
    return %arg0, %c0_i32 : i32, i32
  }
  func.func @transform_6(%arg0: i32) -> (i32, i32) {
    %c0_i32 = arith.constant 0 : i32
    %c0_i32_0 = arith.constant 0 : i32
    return %arg0, %c0_i32 : i32, i32
  }
  func.func @transform_7(%arg0: i32) -> (i32, i32) {
    %c0_i32 = arith.constant 0 : i32
    %c0_i32_0 = arith.constant 0 : i32
    return %arg0, %c0_i32 : i32, i32
  }
  func.func @transform_8(%arg0: i32) -> (i32, i32) {
    %c0_i32 = arith.constant 0 : i32
    %c0_i32_0 = arith.constant 0 : i32
    return %arg0, %c0_i32 : i32, i32
  }
  func.func @transform_9(%arg0: i32) -> (i32, i32) {
    %c0_i32 = arith.constant 0 : i32
    %c0_i32_0 = arith.constant 0 : i32
    %c0_i32_1 = arith.constant 0 : i32
    return %c0_i32, %c0_i32_0 : i32, i32
  }
}

</mosaic_0001>

<sc_bundles>
// kernel: kernel.4.cloned.1.call-start
scs
__scs_entry_jumppad:
0x0: {  	(pc) =	sbr.rel $0x88, $3  }
0x1: {  	(tag) =	ssettag $0x0;
	lr =	simm.s32 $0x1  }
0x2: {  	[smem:$0x3F9E] =	sst lr;
	_ =	strace $0xD0000000  }
0x3: {  	_ = 	snop  }
0x4: {  	_ = 	snop  }
0x5: {  	_ = 	snop  }
0x6: {  	_ = 	snop  }
0x7: {  	_ = 	snop  }
__scs_overlays_trampoline_lowered:
0x8: {  	[smem:$0x3FAD] =	sst s0  }
0x9: {  	[smem:$0x3FAE] =	sst s1  }
0xa: {  	[smem:$0x3FAF] =	sst s2  }
0xb: {  	[smem:$0x3FB0] =	sst s3  }
0xc: {  	[smem:$0x3FB1] =	sst s4  }
0xd: {  	[smem:$0x3FB2] =	sst s5  }
0xe: {  	[smem:$0x3FB3] =	sst s6  }
0xf: {  	[smem:$0x3FB4] =	sst s7  }
0x10: {  	[smem:$0x3FB5] =	sst s8  }
0x11: {  	[smem:$0x3FB6] =	sst s9;
	s0 =	simm.s32 @!p0 $0x0  }
0x12: {  	s1 =	sld [smem:$0x3F9C];
	s0 =	simm.s32 @p0 $0x1  }
0x13: {  	[smem:$0x3FB7] =	sst s0;
	s0 =	simm.s32 @!p1 $0x0  }
0x14: {  	s2 =	sld [smem:$0x3F9B];
	s0 =	simm.s32 @p1 $0x1  }
0x15: {  	[smem:$0x3FB8] =	sst s0;
	s0 =	simm.s32 @!p2 $0x0  }
0x16: {  	s3 =	sld [smem:$0x3FDB];
	s0 =	simm.s32 @p2 $0x1  }
0x17: {  	s4 =	simm.s32 $0x1BF5;
	[smem:$0x3FBA] =	sst s0  }
0x18: {  	s0 =	sld [smem:$0x3F9D];
	_ =	swait.ge [sflag:s4], $0x0  }
0x19: {  	s7 =	sld [smem:$0x3F9E]  }
0x1a: {  	s8 =	sadd.s32 $0xFFFFE003, lr  }
0x1b: {  	s9 =	sadd.s32 $0xFFFFFEF7, lr;
	s5 =	simm.s32 $0xFFFFFFFF;
	p2 =	slt.u32 s8, $0xFFFFF086  }
0x1c: {  	p1 =	slt.u32 s9, $0xF7A;
	s5 =	simm.s32 @!p2 $0x0  }
0x1d: {  	s5 =	simm.s32 @p1 $0x1;
	p0 =	seq.s32 s7, s2  }
0x1e: {  	s7 =	smul.u32 @!p0 $0xF7A, s2;
	p2 =	seq.s32 @!p0 s5, $0x0  }
0x1f: {  	s9 =	smul.u32 $0xF7A, s1;
	s8 =	simm.s32 @!p0 $0x1BF5;
	p2 =	por !p2, p0  }
0x20: {  	[sflag:s8] =	ssyncset.s32 @!p0 $0xFFFFF086;
	s6 =	sadd.s32 @!p0 s3, s7;
	s7 =	simm.s32 @!p0 $0x108  }
0x21: {  	s3 =	sadd.s32 s3, s9;
	s6 =	sadd.s32 @!p0 $0x88, s6;
	s7 =	simm.s32 @p2 $0x1082  }
0x22: {  	[simem:s7], [sflag:s8] =	dma.local @!p0 [hbm:s6], $0xF7A  }
0x23: {  	s9 =	sor.u32 $0xD0000000, s2;
	s6 =	simm.s32 $0x108;
	_ =	swait.ge @!p0 [sflag:s8], $0x0  }
0x24: {  	s3 =	sadd.s32 $0x88, s3;
	s6 =	simm.s32 @!p1 $0x1082;
	[sflag:s4] =	ssyncset.s32 $0xFFFFF086  }
0x25: {  	[simem:s6], [sflag:s4] =	dma.local [hbm:s3], $0xF7A  }
0x26: {  	[smem:$0x3F9E] =	sst s1;
	(tag) =	ssettag s2;
	_ =	strace s9  }
0x27: {  	s1 =	sld [smem:$0x3FAE]  }
0x28: {  	s2 =	sld [smem:$0x3FAF]  }
0x29: {  	s4 =	sld [smem:$0x3FB1]  }
0x2a: {  	p0 =	seq.s32 s5, $0x0;
	s5 =	sld [smem:$0x3FB2]  }
0x2b: {  	s6 =	sld [smem:$0x3FB3]  }
0x2c: {  	s7 =	sld [smem:$0x3FB4]  }
0x2d: {  	s3 =	simm.s32 $0x108;
	s8 =	sld [smem:$0x3FB5]  }
0x2e: {  	s3 =	simm.s32 @!p0 $0x1082;
	s9 =	sld [smem:$0x3FB6]  }
0x2f: {  	lr =	sadd.s32 s0, s3;
	s0 =	sld [smem:$0x3FAD]  }
0x30: {  	s3 =	sld [smem:$0x3FB0]  }
0x31: {  	[smem:$0x3FB9] =	sst s10  }
0x32: {  	s10 =	sld [smem:$0x3FB7];
	_ =	sdelay $0x3  }
0x33: {  	p0 =	seq.s32 s10, $0x1;
	s10 =	sld [smem:$0x3FB9];
	_ =	sdelay $0x3  }
0x34: {  	[smem:$0x3FB9] =	sst s10  }
0x35: {  	s10 =	sld [smem:$0x3FB8];
	_ =	sdelay $0x3  }
0x36: {  	p1 =	seq.s32 s10, $0x1;
	s10 =	sld [smem:$0x3FB9];
	_ =	sdelay $0x3  }
0x37: {  	[smem:$0x3FB9] =	sst s10  }
0x38: {  	s10 =	sld [smem:$0x3FBA]  }
0x39: {  	_ = 	snop;
	(pc) =	sbr.ind lr, $3  }
0x3a: {  	_ = 	snop  }
0x3b: {  	_ = 	snop  }
0x3c: {  	p2 =	seq.s32 s10, $0x1;
	s10 =	sld [smem:$0x3FB9]  }
0x3d: {  	_ =	shalt  }
0x3e: {  	_ =	shalt  }
0x3f: {  	_ =	shalt  }
0x40: {  	_ =	shalt  }
0x41: {  	_ =	shalt  }
0x42: {  	_ =	shalt  }
0x43: {  	_ =	shalt  }
0x44: {  	_ =	shalt  }
0x45: {  	_ =	shalt  }
0x46: {  	_ =	shalt  }
0x47: {  	_ =	shalt  }
0x48: {  	_ =	shalt  }
0x49: {  	_ =	shalt  }
0x4a: {  	_ =	shalt  }
0x4b: {  	_ =	shalt  }
0x4c: {  	_ =	shalt  }
0x4d: {  	_ =	shalt  }
0x4e: {  	_ =	shalt  }
0x4f: {  	_ =	shalt  }
0x50: {  	_ =	shalt  }
0x51: {  	_ =	shalt  }
0x52: {  	_ =	shalt  }
0x53: {  	_ =	shalt  }
0x54: {  	_ =	shalt  }
0x55: {  	_ =	shalt  }
0x56: {  	_ =	shalt  }
0x57: {  	_ =	shalt  }
0x58: {  	_ =	shalt  }
0x59: {  	_ =	shalt  }
0x5a: {  	_ =	shalt  }
0x5b: {  	_ =	shalt  }
0x5c: {  	_ =	shalt  }
0x5d: {  	_ =	shalt  }
0x5e: {  	_ =	shalt  }
0x5f: {  	_ =	shalt  }
0x60: {  	_ =	shalt  }
0x61: {  	_ =	shalt  }
0x62: {  	_ =	shalt  }
0x63: {  	_ =	shalt  }
0x64: {  	_ =	shalt  }
0x65: {  	_ =	shalt  }
0x66: {  	_ =	shalt  }
0x67: {  	_ =	shalt  }
0x68: {  	_ =	shalt  }
0x69: {  	_ =	shalt  }
0x6a: {  	_ =	shalt  }
0x6b: {  	_ =	shalt  }
0x6c: {  	_ =	shalt  }
0x6d: {  	_ =	shalt  }
0x6e: {  	_ =	shalt  }
0x6f: {  	_ =	shalt  }
0x70: {  	_ =	shalt  }
0x71: {  	_ =	shalt  }
0x72: {  	_ =	shalt  }
0x73: {  	_ =	shalt  }
0x74: {  	_ =	shalt  }
0x75: {  	_ =	shalt  }
0x76: {  	_ =	shalt  }
0x77: {  	_ =	shalt  }
0x78: {  	_ =	shalt  }
0x79: {  	_ =	shalt  }
0x7a: {  	_ =	shalt  }
0x7b: {  	_ =	shalt  }
0x7c: {  	_ =	shalt  }
0x7d: {  	_ =	shalt  }
0x7e: {  	_ =	shalt  }
0x7f: {  	_ =	shalt  }
0x80: {  	_ =	shalt  }
0x81: {  	_ =	shalt  }
0x82: {  	_ =	shalt  }
0x83: {  	_ =	shalt  }
0x84: {  	_ =	shalt  }
0x85: {  	_ =	shalt  }
0x86: {  	_ =	shalt  }
0x87: {  	_ =	shalt  }
.Lfunc_end0:
.L_simem_size_0:
called_computation_lowered:
.L_overlay_start_0:
0x88: {  	s2 =	sld [smem:$0x3FD9]  }
0x89: {  	s3 =	sld [smem:$0x3FFE];
	_ =	sdelay $0x1  }
0x8a: {  	s1 =	srdreg.scid  }
0x8b: {  	s0 =	sand.u32 $0x1, s1  }
0x8c: {  	s14 =	sshll.u32 s0, $0xA;
	s2 =	sadd.s32 s3, s2  }
0x8d: {  	s2 =	sadd.s32 s2, s14  }
0x8e: {  	[smem:$0x3FC5] =	sst s2  }
0x8f: {  	_ = 	snop  }
0x90: {  	s2 =	sld [smem:$0x3FD0];
	_ =	sdelay $0x2  }
0x91: {  	s15 =	simm.s32 $0xA;
	s4 =	simm.s32 $0x10  }
0x92: {  	[smem:s4], [sflag:s15] =	dma.local [hbm:s2], $0x1  }
0x93: {  	_ =	swait.eq [sflag:s15], $0x1  }
0x94: {  	[sflag:s15] =	ssyncset.done $0x0  }
0x95: {  	[sflag:s15] =	ssyncadd.s32 $0xFFFFFFFF  }
0x96: {  	s16 =	sld [smem:$0x11];
	(tm) =	ssettm $0x1  }
0x97: {  	s17 =	sld [smem:$0x3FFB];
	_ =	sdelay $0x3  }
0x98: {  	_ =	strace s17  }
0x99: {  	s3 =	sld [smem:$0x3FFC];
	_ =	sdelay $0x3  }
0x9a: {  	_ =	strace s3  }
0x9b: {  	s3 =	sld [smem:$0x3FFD];
	_ =	sdelay $0x3  }
0x9c: {  	_ =	strace s3  }
0x9d: {  	_ =	strace $0x8FFFFFFF  }
0x9e: {  	s18 =	sld [smem:$0x3FDB];
	_ =	sdelay $0x1  }
0x9f: {  	s19 =	simm.s32 $_scs_section_size  }
0xa0: {  	s5 =	simm.s32 $_size__tile_overlayer_lowered;
	s6 =	simm.s32 $_tile_overlayer_lowered  }
0xa1: {  	s22 =	simm.s32 $0x1BFF;
	s21 =	sshll.u32 s6, $0x1;
	s3 =	sadd.s32 s19, s18  }
0xa2: {  	s7 =	simm.s32 $0x0;
	s20 =	sshll.u32 s5, $0x1;
	s5 =	sadd.s32 s21, s3  }
0xa3: {  	[timem:s7], [sflag:s22] =	dma.local [hbm:s5], s20  }
0xa4: {  	_ =	swait.ge [sflag:s22], s20  }
0xa5: {  	s4 =	ssub.s32 $0x0, s20;
	[sflag:s22] =	ssyncset.done $0x0  }
0xa6: {  	[sflag:s22] =	ssyncadd.s32 s4;
	_ =	sdelay $0x1  }
0xa7: {  	s23 =	simm.s32 $0x1B8B  }
0xa8: {  	_ =	swait.ge [sflag:s23], $0x1  }
0xa9: {  	[sflag:s23] =	ssyncset.done $0x0  }
0xaa: {  	s25 =	simm.s32 $0x1B8E;
	s24 =	sld [smem:$0x3FFE];
	[sflag:s23] =	ssyncadd.s32 $0xFFFFFFFF  }
0xab: {  	s26 =	simm.s32 $execute0_lowered;
	[smem:$0x3FD2] =	sst s25  }
0xac: {  	s5 =	sshll.u32 s26, $0x1;
	_ =	strace $0x80000046;
	[dreg:$0x1] =	wrdreg $0xFFFFFFFF  }
0xad: {  	s28 =	simm.s32 $_size_execute0_lowered;
	s3 =	sadd.s32 s3, s5;
	[dreg:$0x0] =	wrdreg $0x0  }
0xae: {  	s5 =	sshll.u32 s28, $0x1;
	[dreg:$0x2] =	wrdreg s3  }
0xaf: {  	[dreg:$0x3] =	wrdreg s5  }
0xb0: {  	[dreg:$0x4] =	wrdreg $0xC0  }
0xb1: {  	_ =	task [dreg:s7], $0x5FFFF  }
0xb2: {  	[dreg:$0x1] =	wrdreg $0xFFFFFFFF  }
0xb3: {  	[dreg:$0x0] =	wrdreg $0x60  }
0xb4: {  	[dreg:$0x2] =	wrdreg s24  }
0xb5: {  	[dreg:$0x3] =	wrdreg s16  }
0xb6: {  	[dreg:$0x4] =	wrdreg $0x9  }
0xb7: {  	_ =	task.clear_ibuf [dreg:s7], $0x5FFFF;
	_ =	strace $0x90000046  }
0xb8: {  	s29 =	simm.s32 $0x9;
	_ =	strace $0x80000048  }
0xb9: {  	_ =	swait.ge [sflag:s29], $0x1  }
0xba: {  	[sflag:s29] =	ssyncadd.s32 $0xFFFFFFFF  }
0xbb: {  	_ =	strace $0x90000048  }
0xbc: {  	_ =	sfence  }
0xbd: {  	s30 =	sld [smem:$0x0];
	_ =	sdelay $0x2  }
0xbe: {  	s31 =	sshll.u32 s1, $0xD;
	s1 =	sshrl.u32 s1, $0x2  }
0xbf: {  	s3 =	sand.u32 $0x4000, s31;
	s1 =	sadd.s32 s1, s30  }
0xc0: {  	s0 =	sor.u32 s3, s0;
	s1 =	sshll.u32 s1, $0x11  }
0xc1: {  	s0 =	sor.u32 s1, s0  }
0xc2: {  	s0 =	sadd.s32 $0x8F2B, s0  }
0xc3: {  	[sflag:s0] =	ssyncadd.remote.s32 $0x1  }
0xc4: {  	_ =	sfence.sel $0xFFFF  }
0xc5: {  	[dreg:$0x0] =	wrdreg $0xFFFFFFFF;
	(pc) =	sbr.abs _section_cstart, $3  }
0xc6: {  	[dreg:$0x1] =	wrdreg $0xFFFFFFFF  }
0xc7: {  	_ =	task.clear_ibuf [dreg:s7], $0x2FFFF;
	_ =	strace $0x9FFFFFFF  }
0xc8: {  	(tm) =	ssettm $0x7FFFFFFF  }
0xc9: {  	_ =	shalt  }
tec
execute0_lowered:
.L_overlay_start_1:
0x0: {  	(tag) =	ssettag $0x1  }
0x1: {  	s2 =	rddreg [dreg:$0x0]  }
0x2: {  	s0 =	srdreg.scid;
	s3 =	rddreg [dreg:$0x1]  }
0x3: {  	s1 =	stileid.u32;
	s4 =	simm.s32 $0x0;
	s10 =	simm.s32 $0x80  }
0x4: {  	s11 =	simm.s32 $0x400;
	s12 =	simm.s32 $0x2000;
	s13 =	simm.s32 $0x1  }
0x5: {  	s14 =	simm.s32 $0x4000;
	s15 =	simm.s32 $0x6000;
	s16 =	simm.s32 $0x2  }
0x6: {  	s17 =	simm.s32 $0x5000;
	s18 =	simm.s32 $0x7000;
	s19 =	simm.s32 $0x3  }
0x7: {  	s20 =	simm.s32 $0x4;
	s21 =	simm.s32 $0x0;
	s5 =	sand.u32 $0x1, s0  }
.Ltmp0:
0x8: {  	v0 =	vlaneseq.u32;
	s6 =	sshll.u32 s1, $0x6;
	s7 =	sshll.u32 s5, $0x5;
	(pc) =	sbr.rel .LBB2_1-.Ltmp0, $4  }
0x9: {  	s0 =	rddreg [dreg:$0x2];
	v0 =	vand.u32 $0x7, v0;
	s8 =	ssub.s32 $0x2, s5;
	s5 =	sor.u32 s7, s6  }
0xa: {  	[smem:$0x7FF] =	sst s4;
	v0 =	vmul.u32 $0x2, v0;
	s31 =	sshrl.u32 s8, $0x1;
	s7 =	sshll.u32 s5, $0xA  }
0xb: {  	_ =	strace $0x80000047;
	s9 =	ssub.s32 s8, s31;
	s6 =	sadd.s32 s2, s7  }
0xc: {  	vm0 =	vmmov $0xff;
	v1 =	vor.u32 $0x1, v0;
	s7 =	sadd.s32 $0x100000, s2;
	s9 =	smax.u32 s9, $0x1;
	s8 =	sadd.s32 $0x10, s6  }
.LBB2_8:
0xd: {  	_ =	swait.ge [sflag:s19], $0x1000  }
0xe: {  	[sflag:s19] =	ssyncset.done $0x0  }
0xf: {  	[sflag:s19] =	ssyncadd.s32 $0xFFFFF000  }
0x10: {  	_ =	swait.ge [sflag:s19], $0x1000  }
0x11: {  	[sflag:s19] =	ssyncset.done $0x0  }
0x12: {  	s21 =	sadd.s32 $0x1, s21;
	[sflag:s19] =	ssyncadd.s32 $0xFFFFF000  }
0x13: {  	p0 =	sne.s32 s21, s9;
	_ =	swait.ge [sflag:s20], $0x1000  }
.Ltmp1:
0x14: {  	[sflag:s20] =	ssyncset.done $0x0;
	(pc) =	sbr.rel @!p0 .LBB2_9-.Ltmp1, $4  }
0x15: {  	[sflag:s20] =	ssyncadd.s32 $0xFFFFF000  }
0x16: {  	_ =	swait.ge [sflag:s20], $0x1000  }
0x17: {  	[sflag:s20] =	ssyncset.done $0x0  }
0x18: {  	[sflag:s20] =	ssyncadd.s32 $0xFFFFF000  }
.LBB2_1:
0x19: {  	[tilespmem:s4], [sflag:$0x1] =	stream.strided.gather [hbm4b:s6+s10], $0x2000, s11, s10, $0x38;
	[tilespmem:$0x8000] =	vst v63  }
0x1a: {  	s22 =	simm.s32 $0x0  }
0x1b: {  	[tilespmem:s12], [sflag:$0x2] =	stream.strided.gather [hbm4b:s8+s10], $0x2000, s11, s10, $0x38;
	[tilespmem:$0x8000] =	vst v63  }
.LBB2_2:
0x1c: {  	_ =	swait.ge [sflag:s13], $0x2000  }
0x1d: {  	p0 =	seq.s32 s22, $0x0;
	[sflag:s13] =	ssyncset.done $0x0  }
0x1e: {  	s23 =	simm.s32 @!p0 $0x3;
	[sflag:s13] =	ssyncadd.s32 $0xFFFFE000  }
0x1f: {  	_ =	swait.ge @!p0 [sflag:s23], $0x1000  }
0x20: {  	[sflag:s23] =	ssyncset.done @!p0 $0x0  }
0x21: {  	[sflag:s23] =	ssyncadd.s32 @!p0 $0xFFFFF000  }
0x22: {  	_ =	swait.ge @!p0 [sflag:s23], $0x1000  }
0x23: {  	[sflag:s23] =	ssyncset.done @!p0 $0x0  }
0x24: {  	s29 =	simm.s32 $0x80;
	[sflag:s23] =	ssyncadd.s32 @!p0 $0xFFFFF000  }
0x25: {  	v2 =	vld [tilespmem:s29+$0x60]  }
0x26: {  	v3 =	vld [tilespmem:s29+$0x70]  }
0x27: {  	v4 =	vld [tilespmem:s29+$0xFFFFFF90]  }
0x28: {  	v6 =	vld [tilespmem:s29+$0xFFFFFFA0]  }
0x29: {  	v7 =	vld [tilespmem:s29+$0xFFFFFFB0]  }
0x2a: {  	v9 =	vld [tilespmem:s29+$0xFFFFFFC0]  }
0x2b: {  	v10 =	vld [tilespmem:s29+$0xFFFFFFD0];
	v5 =	vperm.xlane v2, v0;
	v8 =	vperm.xlane v3, v0  }
0x2c: {  	v11 =	vld [tilespmem:s29+$0xFFFFFFE0];
	v12 =	vperm.xlane v2, v1;
	v13 =	vperm.xlane v3, v1  }
0x2d: {  	v14 =	vld [tilespmem:s29+$0xFFFFFFF0];
	v3 =	vperm.xlane v4, v0;
	v2 =	vperm.xlane v4, v1  }
0x2e: {  	s24 =	simm.s32 $0x4040;
	v15 =	vperm.xlane v6, v0;
	v16 =	vperm.xlane v7, v0;
	v4 =	vsel vm0, v5, v8;
	v5 =	vld [tilespmem:s29+$0x0]  }
0x2f: {  	s25 =	simm.s32 $0x6040;
	v7 =	vperm.xlane v7, v1;
	v12 =	vsel vm0, v12, v13;
	v8 =	vld [tilespmem:s29+$0x10];
	[tilespmem:s24+$0x30] =	vst v4;
	v4 =	vperm.xlane v6, v1  }
0x30: {  	v13 =	vperm.xlane v9, v0;
	v6 =	vld [tilespmem:s29+$0x20];
	[tilespmem:s25+$0x30] =	vst v12;
	v12 =	vsel vm0, v15, v16;
	v15 =	vperm.xlane v10, v0  }
0x31: {  	v10 =	vperm.xlane v10, v1;
	v4 =	vsel vm0, v4, v7;
	[tilespmem:s24+$0xFFFFFFD0] =	vst v12;
	v7 =	vperm.xlane v9, v1;
	v9 =	vld [tilespmem:s29+$0x30]  }
0x32: {  	s28 =	sshll.u32 s22, $0x5;
	[tilespmem:s25+$0xFFFFFFD0] =	vst v4;
	v12 =	vsel vm0, v13, v15;
	v13 =	vperm.xlane v11, v0;
	v15 =	vperm.xlane v14, v0;
	v4 =	vld [tilespmem:s29+$0x40]  }
0x33: {  	s30 =	simm.s32 $0x0;
	s31 =	simm.s32 $0x180;
	s23 =	sshll.u32 s22, $0x1;
	v11 =	vperm.xlane v11, v1;
	v16 =	vsel vm0, v7, v10;
	[tilespmem:s24+$0xFFFFFFE0] =	vst v12;
	v12 =	vperm.xlane v14, v1;
	v7 =	vld [tilespmem:s29+$0x50]  }
0x34: {  	s28 =	sand.u32 $0x60, s28;
	s26 =	sor.u32 s5, s23;
	v10 =	vld [tilespmem:s29+$0xFFFFFF80];
	v14 =	vperm.xlane v8, v0;
	s29 =	simm.s32 $0x6040;
	[tilespmem:s25+$0xFFFFFFE0] =	vst v16;
	v15 =	vsel vm0, v13, v15;
	v13 =	vperm.xlane v5, v0  }
.LBB2_3:
0x35: {  	v16 =	vld [tilespmem:s31+$0x60];
	v11 =	vsel vm0, v11, v12;
	[tilespmem:s24+$0xFFFFFFF0] =	vst v15;
	v5 =	vperm.xlane v5, v1;
	v8 =	vperm.xlane v8, v1  }
0x36: {  	v12 =	vld [tilespmem:s31+$0x70];
	[tilespmem:s25+$0xFFFFFFF0] =	vst v11;
	v11 =	vsel vm0, v13, v14;
	v13 =	vperm.xlane v6, v0;
	v14 =	vperm.xlane v9, v0  }
0x37: {  	s30 =	sadd.s32 $0x8, s30;
	v6 =	vperm.xlane v6, v1;
	v15 =	vld [tilespmem:s31+$0xFFFFFF90];
	v5 =	vsel vm0, v5, v8;
	[tilespmem:s24+$0x0] =	vst v11;
	v8 =	vperm.xlane v9, v1  }
0x38: {  	p1 =	slt.u32 s30, $0xF8;
	v11 =	vperm.xlane v4, v0;
	v9 =	vld [tilespmem:s31+$0xFFFFFFA0];
	[tilespmem:s25+$0x0] =	vst v5;
	v5 =	vsel vm0, v13, v14;
	v13 =	vperm.xlane v7, v0  }
0x39: {  	v14 =	vld [tilespmem:s31+$0xFFFFFFB0];
	v17 =	vperm.xlane v10, v0;
	v10 =	vperm.xlane v10, v1;
	v6 =	vsel vm0, v6, v8;
	[tilespmem:s24+$0x10] =	vst v5  }
0x3a: {  	v4 =	vperm.xlane v4, v1;
	v18 =	vld [tilespmem:s31+$0xFFFFFFC0];
	[tilespmem:s25+$0x10] =	vst v6;
	v5 =	vsel vm0, v11, v13;
	v6 =	vperm.xlane v7, v1  }
0x3b: {  	v8 =	vperm.xlane v16, v0;
	v7 =	vld [tilespmem:s31+$0xFFFFFFD0];
	v11 =	vperm.xlane v12, v0;
	v3 =	vsel vm0, v17, v3;
	[tilespmem:s24+$0x20] =	vst v5  }
0x3c: {  	v16 =	vperm.xlane v16, v1;
	v12 =	vperm.xlane v12, v1;
	v5 =	vsel vm0, v10, v2;
	v13 =	vld [tilespmem:s31+$0xFFFFFFE0];
	[tilespmem:s24+$0xFFFFFFC0] =	vst v3  }
0x3d: {  	v3 =	vperm.xlane v15, v0;
	v2 =	vperm.xlane v15, v1;
	s24 =	sadd.s32 $0x80, s24;
	v10 =	vld [tilespmem:s31+$0xFFFFFFF0];
	v8 =	vsel vm0, v8, v11;
	[tilespmem:s25+$0xFFFFFFC0] =	vst v5  }
0x3e: {  	v11 =	vperm.xlane v9, v0;
	v12 =	vsel vm0, v16, v12;
	s25 =	sadd.s32 $0x80, s25;
	v15 =	vperm.xlane v14, v0;
	v5 =	vld [tilespmem:s31+$0x0];
	[tilespmem:s24+$0x30] =	vst v8  }
0x3f: {  	v4 =	vsel vm0, v4, v6;
	v9 =	vperm.xlane v9, v1;
	v14 =	vperm.xlane v14, v1;
	v8 =	vld [tilespmem:s31+$0x10];
	[tilespmem:s25+$0x30] =	vst v12  }
.Ltmp2:
0x40: {  	v12 =	vperm.xlane v18, v0;
	v11 =	vsel vm0, v11, v15;
	v15 =	vperm.xlane v7, v0;
	v6 =	vld [tilespmem:s31+$0x20];
	[tilespmem:s29+$0x20] =	vst v4;
	s29 =	smov.u32 s25;
	(pc) =	sbr.rel @p1 .LBB2_3-.Ltmp2, $4  }
0x41: {  	v4 =	vsel vm0, v9, v14;
	v7 =	vperm.xlane v7, v1;
	[tilespmem:s24+$0xFFFFFFD0] =	vst v11;
	v11 =	vperm.xlane v18, v1;
	v9 =	vld [tilespmem:s31+$0x30]  }
0x42: {  	v14 =	vperm.xlane v13, v0;
	[tilespmem:s25+$0xFFFFFFD0] =	vst v4;
	v12 =	vsel vm0, v12, v15;
	v15 =	vperm.xlane v10, v0;
	v4 =	vld [tilespmem:s31+$0x40]  }
0x43: {  	v16 =	vsel vm0, v11, v7;
	[tilespmem:s24+$0xFFFFFFE0] =	vst v12;
	v11 =	vperm.xlane v13, v1;
	v12 =	vperm.xlane v10, v1;
	v7 =	vld [tilespmem:s31+$0x50]  }
0x44: {  	v13 =	vperm.xlane v5, v0;
	v10 =	vld [tilespmem:s31+$0xFFFFFF80];
	[tilespmem:s25+$0xFFFFFFE0] =	vst v16;
	v15 =	vsel vm0, v14, v15;
	v14 =	vperm.xlane v8, v0;
	s31 =	sadd.s32 $0x100, s31  }
0x45: {  	v11 =	vsel vm0, v11, v12;
	[tilespmem:s24+$0xFFFFFFF0] =	vst v15;
	v5 =	vperm.xlane v5, v1;
	v8 =	vperm.xlane v8, v1  }
0x46: {  	v12 =	vperm.xlane v6, v0;
	[tilespmem:s25+$0xFFFFFFF0] =	vst v11;
	v11 =	vsel vm0, v13, v14;
	v13 =	vperm.xlane v9, v0  }
0x47: {  	v6 =	vperm.xlane v6, v1;
	v5 =	vsel vm0, v5, v8;
	[tilespmem:s24+$0x0] =	vst v11;
	v8 =	vperm.xlane v9, v1  }
0x48: {  	v9 =	vperm.xlane v4, v0;
	[tilespmem:s25+$0x0] =	vst v5;
	v5 =	vsel vm0, v12, v13;
	v11 =	vperm.xlane v7, v0  }
0x49: {  	v12 =	vperm.xlane v10, v0;
	v6 =	vsel vm0, v6, v8;
	[tilespmem:s24+$0x10] =	vst v5  }
0x4a: {  	v5 =	vperm.xlane v10, v1;
	[tilespmem:s25+$0x10] =	vst v6;
	v6 =	vsel vm0, v9, v11  }
0x4b: {  	s30 =	sshll.u32 s26, $0x9;
	v4 =	vperm.xlane v4, v1;
	v7 =	vperm.xlane v7, v1;
	v3 =	vsel vm0, v12, v3;
	[tilespmem:s24+$0x20] =	vst v6  }
0x4c: {  	s31 =	sand.u32 $0x7F000, s30;
	v2 =	vsel vm0, v5, v2;
	[tilespmem:s24+$0xFFFFFFC0] =	vst v3  }
0x4d: {  	s24 =	sor.u32 s28, s31;
	[tilespmem:s25+$0xFFFFFFC0] =	vst v2;
	v2 =	vsel vm0, v4, v7  }
0x4e: {  	s31 =	sadd.s32 s3, s24;
	[tilespmem:s29+$0x20] =	vst v2  }
0x4f: {  	[hbm4b:s31+s10] =	stream.strided.scatter [tilespmem:s14], [sflag:$0x3], $0x1000, s11, s10, $0x38;
	[tilespmem:$0x8000] =	vst v63  }
0x50: {  	p1 =	seq.s32 s22, $0xF;
	s24 =	sadd.s32 s7, s24  }
0x51: {  	[hbm4b:s24+s10] =	stream.strided.scatter [tilespmem:s15], [sflag:$0x3], $0x1000, s11, s10, $0x38;
	[tilespmem:$0x8000] =	vst v63  }
0x52: {  	s24 =	sadd.s32 @!p1 $0x2, s26  }
0x53: {  	s25 =	sshll.u32 @!p1 s24, $0x4  }
0x54: {  	s24 =	sshll.u32 @!p1 s24, $0xA;
	s25 =	sand.u32 @!p1 $0x60, s25  }
0x55: {  	s28 =	simm.s32 @!p1 $0x0;
	s24 =	sand.u32 @!p1 $0xFFFE000, s24;
	s25 =	sadd.s32 @!p1 s2, s25  }
0x56: {  	s26 =	simm.s32 @!p1 $0x400;
	s24 =	sadd.s32 @!p1 s24, s25;
	s25 =	simm.s32 @!p1 $0x80  }
0x57: {  	[tilespmem:s28], [sflag:$0x1] =	stream.strided.gather @!p1 [hbm4b:s24+s25], $0x2000, s26, s25, $0x38;
	[tilespmem:$0x8000] =	vst v63  }
0x58: {  	_ =	swait.ge [sflag:s16], $0x2000  }
0x59: {  	[sflag:s16] =	ssyncset.done $0x0  }
0x5a: {  	s24 =	simm.s32 @!p0 $0x4;
	[sflag:s16] =	ssyncadd.s32 $0xFFFFE000  }
0x5b: {  	_ =	swait.ge @!p0 [sflag:s24], $0x1000  }
0x5c: {  	[sflag:s24] =	ssyncset.done @!p0 $0x0  }
0x5d: {  	[sflag:s24] =	ssyncadd.s32 @!p0 $0xFFFFF000  }
0x5e: {  	_ =	swait.ge @!p0 [sflag:s24], $0x1000  }
0x5f: {  	[sflag:s24] =	ssyncset.done @!p0 $0x0  }
0x60: {  	s28 =	simm.s32 $0x2080;
	[sflag:s24] =	ssyncadd.s32 @!p0 $0xFFFFF000  }
0x61: {  	v2 =	vld [tilespmem:s28+$0x60]  }
0x62: {  	v3 =	vld [tilespmem:s28+$0x70]  }
0x63: {  	v4 =	vld [tilespmem:s28+$0xFFFFFF90]  }
0x64: {  	v5 =	vld [tilespmem:s28+$0xFFFFFFA0]  }
0x65: {  	v7 =	vld [tilespmem:s28+$0xFFFFFFB0]  }
0x66: {  	v9 =	vld [tilespmem:s28+$0xFFFFFFC0]  }
0x67: {  	v10 =	vld [tilespmem:s28+$0xFFFFFFD0];
	v6 =	vperm.xlane v2, v0;
	v8 =	vperm.xlane v3, v0  }
0x68: {  	v11 =	vld [tilespmem:s28+$0xFFFFFFE0];
	v12 =	vperm.xlane v2, v1;
	v13 =	vperm.xlane v3, v1  }
0x69: {  	v14 =	vld [tilespmem:s28+$0xFFFFFFF0];
	v3 =	vperm.xlane v4, v0;
	v2 =	vperm.xlane v4, v1  }
0x6a: {  	s24 =	simm.s32 $0x5040;
	v15 =	vperm.xlane v5, v0;
	v16 =	vperm.xlane v7, v0;
	v4 =	vsel vm0, v6, v8;
	v6 =	vld [tilespmem:s28+$0x0]  }
0x6b: {  	s25 =	simm.s32 $0x7040;
	v7 =	vperm.xlane v7, v1;
	v12 =	vsel vm0, v12, v13;
	v8 =	vld [tilespmem:s28+$0x10];
	[tilespmem:s24+$0x30] =	vst v4;
	v4 =	vperm.xlane v5, v1  }
0x6c: {  	v13 =	vperm.xlane v9, v0;
	v5 =	vld [tilespmem:s28+$0x20];
	[tilespmem:s25+$0x30] =	vst v12;
	v12 =	vsel vm0, v15, v16;
	v15 =	vperm.xlane v10, v0  }
0x6d: {  	v10 =	vperm.xlane v10, v1;
	v4 =	vsel vm0, v4, v7;
	[tilespmem:s24+$0xFFFFFFD0] =	vst v12;
	v7 =	vperm.xlane v9, v1;
	v9 =	vld [tilespmem:s28+$0x30]  }
0x6e: {  	s23 =	sor.u32 $0x1, s23;
	[tilespmem:s25+$0xFFFFFFD0] =	vst v4;
	v12 =	vsel vm0, v13, v15;
	v13 =	vperm.xlane v11, v0;
	v15 =	vperm.xlane v14, v0;
	v4 =	vld [tilespmem:s28+$0x40]  }
0x6f: {  	s30 =	simm.s32 $0x2180;
	s29 =	simm.s32 $0x0;
	s31 =	sshll.u32 s23, $0x4;
	v11 =	vperm.xlane v11, v1;
	v16 =	vsel vm0, v7, v10;
	[tilespmem:s24+$0xFFFFFFE0] =	vst v12;
	v12 =	vperm.xlane v14, v1;
	v7 =	vld [tilespmem:s28+$0x50]  }
0x70: {  	s23 =	sor.u32 s5, s23;
	s26 =	sand.u32 $0x70, s31;
	v10 =	vld [tilespmem:s28+$0xFFFFFF80];
	v14 =	vperm.xlane v8, v0;
	s28 =	simm.s32 $0x7040;
	[tilespmem:s25+$0xFFFFFFE0] =	vst v16;
	v15 =	vsel vm0, v13, v15;
	v13 =	vperm.xlane v6, v0  }
.LBB2_5:
0x71: {  	v16 =	vld [tilespmem:s30+$0x60];
	v11 =	vsel vm0, v11, v12;
	[tilespmem:s24+$0xFFFFFFF0] =	vst v15;
	v6 =	vperm.xlane v6, v1;
	v8 =	vperm.xlane v8, v1  }
0x72: {  	v12 =	vld [tilespmem:s30+$0x70];
	[tilespmem:s25+$0xFFFFFFF0] =	vst v11;
	v11 =	vsel vm0, v13, v14;
	v13 =	vperm.xlane v5, v0;
	v14 =	vperm.xlane v9, v0  }
0x73: {  	s29 =	sadd.s32 $0x8, s29;
	v5 =	vperm.xlane v5, v1;
	v15 =	vld [tilespmem:s30+$0xFFFFFF90];
	v6 =	vsel vm0, v6, v8;
	[tilespmem:s24+$0x0] =	vst v11;
	v8 =	vperm.xlane v9, v1  }
0x74: {  	p0 =	slt.u32 s29, $0xF8;
	v11 =	vperm.xlane v4, v0;
	v9 =	vld [tilespmem:s30+$0xFFFFFFA0];
	[tilespmem:s25+$0x0] =	vst v6;
	v6 =	vsel vm0, v13, v14;
	v13 =	vperm.xlane v7, v0  }
0x75: {  	v14 =	vld [tilespmem:s30+$0xFFFFFFB0];
	v17 =	vperm.xlane v10, v0;
	v10 =	vperm.xlane v10, v1;
	v5 =	vsel vm0, v5, v8;
	[tilespmem:s24+$0x10] =	vst v6  }
0x76: {  	v4 =	vperm.xlane v4, v1;
	v7 =	vperm.xlane v7, v1;
	v18 =	vld [tilespmem:s30+$0xFFFFFFC0];
	[tilespmem:s25+$0x10] =	vst v5;
	v5 =	vsel vm0, v11, v13  }
0x77: {  	v6 =	vperm.xlane v16, v0;
	v11 =	vld [tilespmem:s30+$0xFFFFFFD0];
	v8 =	vperm.xlane v12, v0;
	v3 =	vsel vm0, v17, v3;
	[tilespmem:s24+$0x20] =	vst v5  }
0x78: {  	v5 =	vperm.xlane v16, v1;
	v12 =	vperm.xlane v12, v1;
	v10 =	vsel vm0, v10, v2;
	v13 =	vld [tilespmem:s30+$0xFFFFFFE0];
	[tilespmem:s24+$0xFFFFFFC0] =	vst v3  }
0x79: {  	v3 =	vperm.xlane v15, v0;
	v2 =	vperm.xlane v15, v1;
	s24 =	sadd.s32 $0x80, s24;
	v15 =	vld [tilespmem:s30+$0xFFFFFFF0];
	v8 =	vsel vm0, v6, v8;
	[tilespmem:s25+$0xFFFFFFC0] =	vst v10  }
0x7a: {  	v10 =	vperm.xlane v9, v0;
	v5 =	vsel vm0, v5, v12;
	s25 =	sadd.s32 $0x80, s25;
	v16 =	vperm.xlane v14, v0;
	v6 =	vld [tilespmem:s30+$0x0];
	[tilespmem:s24+$0x30] =	vst v8  }
0x7b: {  	v4 =	vsel vm0, v4, v7;
	v9 =	vperm.xlane v9, v1;
	v12 =	vperm.xlane v14, v1;
	v8 =	vld [tilespmem:s30+$0x10];
	[tilespmem:s25+$0x30] =	vst v5  }
.Ltmp3:
0x7c: {  	v7 =	vsel vm0, v10, v16;
	v10 =	vperm.xlane v18, v0;
	v14 =	vperm.xlane v11, v0;
	v5 =	vld [tilespmem:s30+$0x20];
	[tilespmem:s28+$0x20] =	vst v4;
	s28 =	smov.u32 s25;
	(pc) =	sbr.rel @p0 .LBB2_5-.Ltmp3, $4  }
0x7d: {  	v4 =	vsel vm0, v9, v12;
	v11 =	vperm.xlane v11, v1;
	[tilespmem:s24+$0xFFFFFFD0] =	vst v7;
	v7 =	vperm.xlane v18, v1;
	v9 =	vld [tilespmem:s30+$0x30]  }
0x7e: {  	[tilespmem:s25+$0xFFFFFFD0] =	vst v4;
	v10 =	vsel vm0, v10, v14;
	v14 =	vperm.xlane v13, v0;
	v16 =	vperm.xlane v15, v0;
	v4 =	vld [tilespmem:s30+$0x40]  }
0x7f: {  	v12 =	vperm.xlane v15, v1;
	v17 =	vsel vm0, v7, v11;
	[tilespmem:s24+$0xFFFFFFE0] =	vst v10;
	v11 =	vperm.xlane v13, v1;
	v7 =	vld [tilespmem:s30+$0x50]  }
0x80: {  	v13 =	vperm.xlane v6, v0;
	v10 =	vld [tilespmem:s30+$0xFFFFFF80];
	[tilespmem:s25+$0xFFFFFFE0] =	vst v17;
	v15 =	vsel vm0, v14, v16;
	v14 =	vperm.xlane v8, v0;
	s30 =	sadd.s32 $0x100, s30  }
0x81: {  	v11 =	vsel vm0, v11, v12;
	[tilespmem:s24+$0xFFFFFFF0] =	vst v15;
	v6 =	vperm.xlane v6, v1;
	v8 =	vperm.xlane v8, v1  }
0x82: {  	v52 =	vperm.xlane v5, v0;
	[tilespmem:s25+$0xFFFFFFF0] =	vst v11;
	v51 =	vsel vm0, v13, v14;
	v53 =	vperm.xlane v9, v0  }
0x83: {  	v58 =	vperm.xlane v5, v1;
	v59 =	vperm.xlane v9, v1;
	v6 =	vsel vm0, v6, v8;
	[tilespmem:s24+$0x0] =	vst v51  }
0x84: {  	v54 =	vperm.xlane v4, v0;
	v55 =	vperm.xlane v7, v0;
	[tilespmem:s25+$0x0] =	vst v6;
	v56 =	vsel vm0, v52, v53  }
0x85: {  	v5 =	vsel vm0, v58, v59;
	v57 =	vperm.xlane v10, v0;
	[tilespmem:s24+$0x10] =	vst v56  }
0x86: {  	v61 =	vperm.xlane v10, v1;
	v60 =	vsel vm0, v54, v55;
	[tilespmem:s25+$0x10] =	vst v5  }
0x87: {  	s30 =	sshll.u32 s23, $0x9;
	v62 =	vperm.xlane v4, v1;
	v63 =	vperm.xlane v7, v1;
	v3 =	vsel vm0, v57, v3;
	[tilespmem:s24+$0x20] =	vst v60  }
0x88: {  	v2 =	vsel vm0, v61, v2;
	[tilespmem:s24+$0xFFFFFFC0] =	vst v3;
	s24 =	sand.u32 $0x7F000, s30  }
.Ltmp4:
0x89: {  	[tilespmem:s25+$0xFFFFFFC0] =	vst v2;
	v2 =	vsel vm0, v62, v63;
	s24 =	sor.u32 s26, s24;
	(pc) =	sbr.rel @p1 .LBB2_8-.Ltmp4, $4  }
0x8a: {  	[tilespmem:s28+$0x20] =	vst v2;
	s31 =	sadd.s32 s3, s24  }
0x8b: {  	[hbm4b:s31+s10] =	stream.strided.scatter [tilespmem:s17], [sflag:$0x4], $0x1000, s11, s10, $0x38;
	[tilespmem:$0x8000] =	vst v63  }
0x8c: {  	s24 =	sadd.s32 s7, s24  }
0x8d: {  	[hbm4b:s24+s10] =	stream.strided.scatter [tilespmem:s18], [sflag:$0x4], $0x1000, s11, s10, $0x38;
	[tilespmem:$0x8000] =	vst v63  }
0x8e: {  	s23 =	sadd.s32 $0x2, s23  }
.Ltmp5:
0x8f: {  	s24 =	sshll.u32 s23, $0x4;
	(pc) =	sbr.rel .LBB2_2-.Ltmp5, $4  }
0x90: {  	s23 =	sshll.u32 s23, $0xA;
	s24 =	sand.u32 $0x70, s24  }
0x91: {  	s23 =	sand.u32 $0xFFFE000, s23;
	s24 =	sadd.s32 s2, s24  }
0x92: {  	s22 =	sadd.s32 $0x1, s22;
	s23 =	sadd.s32 s23, s24  }
0x93: {  	[tilespmem:s12], [sflag:$0x2] =	stream.strided.gather [hbm4b:s23+s10], $0x2000, s11, s10, $0x38;
	[tilespmem:$0x8000] =	vst v63  }
.LBB2_9:
0x94: {  	_ =	sfence.sel $0x180000  }
0x95: {  	[bflag:$0x0] =	sbarrier.arrive $0xFFFF  }
0x96: {  	p0 =	sne.s32 s1, $0x0;
	_ =	strace $0x90000047  }
0x97: {  	s0 =	sadd.s32 @!p0 $0x100000, s0;
	[bflag:$0x2] =	sbarrier.arrive $0xFFFF  }
0x98: {  	[sflag:s0] =	ssyncadd.tile.s32 @!p0 $0x1;
	_ =	shalt  }
.Lfunc_end2:
_tile_overlayer_lowered:
.L_overlay_start_2:
0x99: {  	(tag) =	ssettag $0x2  }
0x9a: {  	s0 =	rddreg [dreg:$0x0];
	s2 =	stileid.u32  }
0x9b: {  	s1 =	rddreg [dreg:$0x1];
	p0 =	sne.s32 s2, $0x0  }
0x9c: {  	s3 =	rddreg [dreg:$0x2];
	[bflag:$0x3] =	sbarrier.arrive $0xFFFF;
	s2 =	simm.s32 @!p0 $0x1C05  }
0x9d: {  	[timem:s3], [sflag:s2] =	dma.local @!p0 [hbm:s0], s1  }
0x9e: {  	s0 =	simm.s32 @!p0 $0x5  }
0x9f: {  	_ =	swait.ge @!p0 [sflag:s0], s1  }
0xa0: {  	s1 =	ssub.s32 @!p0 $0x0, s1;
	[sflag:s0] =	ssyncset.done @!p0 $0x0  }
0xa1: {  	[sflag:s0] =	ssyncadd.s32 @!p0 s1  }
0xa2: {  	[bflag:$0x3] =	sbarrier.arrive $0xFFFF  }
0xa3: {  	_ =	shalt  }

</sc_bundles>
